<compile_context>
chip_gen: v7x
topology: tpu7x:2x2x1
jax: 0.10.2.dev20260603
libtpu: 0.0.44.dev20260713+nightly
codegen_flags: <defaults>
</compile_context>

<pallas_src>
import functools

import jax
import jax.numpy as jnp
from jax import lax
from jax.experimental import pallas as pl
from jax.experimental.pallas import tpu as pltpu
from jax.experimental.pallas import tpu_sc as plsc

_NUM_SC_CORES = 2
_NUM_SUBCORES = 16
_NUM_WORKERS = _NUM_SC_CORES * _NUM_SUBCORES
_LANES = 16
_CHUNK_ROWS = 8


def _take16(tbl, idx):
    return lax.gather(
        tbl, idx[:, None],
        lax.GatherDimensionNumbers(
            offset_dims=(), collapsed_slice_dims=(0,), start_index_map=(0,)),
        (1,), mode=lax.GatherScatterMode.PROMISE_IN_BOUNDS)


def _tables(coefficients):
    g = jnp.array([-1.0, -0.5, 0.0, 0.5], jnp.float32)
    d = coefficients[1:] - coefficients[:-1]
    b4 = 2.0 * d
    a4 = coefficients[:4] - 2.0 * g * d
    a_tbl = jnp.zeros((_LANES,), jnp.float32).at[:4].set(a4)
    b_tbl = jnp.zeros((_LANES,), jnp.float32).at[:4].set(b4)
    return a_tbl, b_tbl


@functools.lru_cache(maxsize=None)
def _make_sc_kernel(rows: int, cols: int):
    rows_per_w = rows // _NUM_WORKERS
    chunk_rows = min(_CHUNK_ROWS, rows_per_w)
    n_chunks = rows_per_w // chunk_rows
    steps = cols // _LANES
    mesh = plsc.VectorSubcoreMesh(core_axis_name="c", subcore_axis_name="s")

    @functools.partial(
        pl.kernel,
        out_type=jax.ShapeDtypeStruct((rows, cols), jnp.float32),
        mesh=mesh,
        scratch_types=[
            pltpu.VMEM((_LANES,), jnp.float32),
            pltpu.VMEM((_LANES,), jnp.float32),
            pltpu.VMEM((chunk_rows, cols), jnp.float32),
            pltpu.VMEM((chunk_rows, cols), jnp.float32),
            pltpu.VMEM((chunk_rows, cols), jnp.float32),
            pltpu.VMEM((chunk_rows, cols), jnp.float32),
            pltpu.SemaphoreType.DMA,
            pltpu.SemaphoreType.DMA,
            pltpu.SemaphoreType.DMA,
            pltpu.SemaphoreType.DMA,
        ],
    )
    def sc_kernel(a_hbm, b_hbm, x_hbm, o_hbm,
                  a_v, b_v, ib0, ib1, ob0, ob1, si0, si1, so0, so1):
        cid = lax.axis_index("c")
        sid = lax.axis_index("s")
        wid = sid * _NUM_SC_CORES + cid
        base = wid * rows_per_w
        pltpu.sync_copy(a_hbm, a_v)
        pltpu.sync_copy(b_hbm, b_v)
        a_vec = a_v[...]
        b_vec = b_v[...]
        ibufs, obufs = (ib0, ib1), (ob0, ob1)
        isems, osems = (si0, si1), (so0, so1)
        for b in range(2):
            pltpu.async_copy(x_hbm.at[pl.ds(base + b * chunk_rows, chunk_rows)], ibufs[b], isems[b])

        @pl.loop(0, n_chunks, step=2)
        def _chunk(g0):
            for b in range(2):
                g = g0 + b
                pltpu.make_async_copy(
                    x_hbm.at[pl.ds(base, chunk_rows)], ibufs[b], isems[b]).wait()

                @pl.when(g >= 2)
                def _wait_out(b=b):
                    pltpu.make_async_copy(
                        obufs[b], o_hbm.at[pl.ds(base, chunk_rows)], osems[b]).wait()

                @plsc.parallel_loop(0, chunk_rows * steps, 1, unroll=8)
                def _step(i, b=b):
                    r = i // steps
                    col = (i % steps) * _LANES
                    xv = ibufs[b][r, pl.ds(col, _LANES)]
                    xc = jnp.maximum(xv, -1.0)
                    idx = (xc * 2.0 + 2.0).astype(jnp.int32)
                    av = _take16(a_vec, idx)
                    bv = _take16(b_vec, idx)
                    obufs[b][r, pl.ds(col, _LANES)] = av + bv * xc

                pltpu.async_copy(obufs[b], o_hbm.at[pl.ds(base + g * chunk_rows, chunk_rows)], osems[b])

                @pl.when(g + 2 < n_chunks)
                def _next_in(b=b, g=g):
                    pltpu.async_copy(x_hbm.at[pl.ds(base + (g + 2) * chunk_rows, chunk_rows)], ibufs[b], isems[b])

        for b in range(2):
            pltpu.make_async_copy(obufs[b], o_hbm.at[pl.ds(base, chunk_rows)], osems[b]).wait()

    return sc_kernel


def kernel(x, coefficients):
    orig_shape = x.shape
    cols = orig_shape[-1]
    rows = x.size // cols
    a_tbl, b_tbl = _tables(coefficients)
    out = _make_sc_kernel(rows, cols)(a_tbl, b_tbl, x.reshape(rows, cols))
    return out.reshape(orig_shape)

# --- scband reference (transcript-rebuilt; emitter-appended) ---
"""Pipeline reference for scband-bspline-activation-43920335569622 (READ-ONLY COPY).

The authoritative reference and input builder live on the scoring server;
editing this copy changes nothing except your own understanding.
"""

import jax, jax.numpy as jnp
import numpy as np

GRID_SIZE = 5

def setup_inputs(seed: int = 0) -> dict:
    key = jax.random.key(seed)
    k1, k2 = jax.random.split(key)
    x = jax.random.normal(k1, (2, 4096, 2048), dtype=jnp.float32)
    coefficients = jax.random.normal(k2, (GRID_SIZE,), dtype=jnp.float32)
    return {"x": x, "coefficients": coefficients}

def reference(x, coefficients):
    grid = jnp.linspace(-1.0, 1.0, GRID_SIZE)
    xc = jnp.clip(x, -1.0, 1.0)
    output = jnp.zeros_like(xc)
    for i in range(GRID_SIZE - 1):
        mask = (xc >= grid[i]) & (xc < grid[i + 1])
        t = (xc - grid[i]) / (grid[i + 1] - grid[i])
        interpolated = (1.0 - t) * coefficients[i] + t * coefficients[i + 1]
        output = jnp.where(mask, interpolated, output)
    return output

if __name__ == "__main__":
    import jax
    _d = setup_inputs()
    print(jax.jit(kernel)(*tuple(_d.values())))

</pallas_src>

<mosaic_0001>
#map = affine_map<(d0, d1) -> (0)>
#map1 = affine_map<(d0, d1) -> (0, 0)>
module attributes {stable_mosaic.version = 14 : i64} {
  func.func @sc_kernel(%arg0: i32, %arg1: i32, %arg2: memref<16xf32, #tpu.memory_space<hbm>>, %arg3: memref<16xf32, #tpu.memory_space<hbm>>, %arg4: memref<8192x2048xf32, #tpu.memory_space<hbm>>, %arg5: memref<8192x2048xf32, #tpu.memory_space<hbm>>, %arg6: memref<16xf32, #tpu.memory_space<vmem>>, %arg7: memref<16xf32, #tpu.memory_space<vmem>>, %arg8: memref<8x2048xf32, #tpu.memory_space<vmem>>, %arg9: memref<8x2048xf32, #tpu.memory_space<vmem>>, %arg10: memref<8x2048xf32, #tpu.memory_space<vmem>>, %arg11: memref<8x2048xf32, #tpu.memory_space<vmem>>, %arg12: memref<!tpu.dma_semaphore, #tpu.memory_space<semaphore_mem>>, %arg13: memref<!tpu.dma_semaphore, #tpu.memory_space<semaphore_mem>>, %arg14: memref<!tpu.dma_semaphore, #tpu.memory_space<semaphore_mem>>, %arg15: memref<!tpu.dma_semaphore, #tpu.memory_space<semaphore_mem>>) attributes {dimension_semantics = [#tpu.dimension_semantics<core_parallel>, #tpu.dimension_semantics<subcore_parallel>], iteration_bounds = array<i64: 2, 16>, scalar_prefetch = 0 : i64, scratch_operands = 10 : i64, tpu.core_type = #tpu.core_type<sc_vector_subcore>, window_params = [{transform_indices = #map}, {transform_indices = #map}, {transform_indices = #map1}, {transform_indices = #map1}]} {
    %mul3A = arith.constant 2 : i32
    %mul3A_0 = arith.muli %arg1, %mul3A : i32
    %add3A = arith.addi %mul3A_0, %arg0 : i32
    %mul3A_1 = arith.constant 256 : i32
    %mul3A_2 = arith.muli %add3A, %mul3A_1 : i32
    "tpu.region"() ({
      %run_scoped3A = tpu.sem_alloc : memref<!tpu.dma_semaphore, #tpu.memory_space<semaphore_mem>>
      tpu.enqueue_dma source(%arg2 : memref<16xf32, #tpu.memory_space<hbm>>) target(%arg6 : memref<16xf32, #tpu.memory_space<vmem>>) target_semaphore(%run_scoped3A : memref<!tpu.dma_semaphore, #tpu.memory_space<semaphore_mem>>)
      tpu.wait_dma2 semaphore(%run_scoped3A : memref<!tpu.dma_semaphore, #tpu.memory_space<semaphore_mem>>) src(%arg2 : memref<16xf32, #tpu.memory_space<hbm>>) dst(%arg6 : memref<16xf32, #tpu.memory_space<vmem>>)
      tpu.yield
    }) : () -> ()
    "tpu.region"() ({
      %run_scoped3A = tpu.sem_alloc : memref<!tpu.dma_semaphore, #tpu.memory_space<semaphore_mem>>
      tpu.enqueue_dma source(%arg3 : memref<16xf32, #tpu.memory_space<hbm>>) target(%arg7 : memref<16xf32, #tpu.memory_space<vmem>>) target_semaphore(%run_scoped3A : memref<!tpu.dma_semaphore, #tpu.memory_space<semaphore_mem>>)
      tpu.wait_dma2 semaphore(%run_scoped3A : memref<!tpu.dma_semaphore, #tpu.memory_space<semaphore_mem>>) src(%arg3 : memref<16xf32, #tpu.memory_space<hbm>>) dst(%arg7 : memref<16xf32, #tpu.memory_space<vmem>>)
      tpu.yield
    }) : () -> ()
    %get3A = arith.constant 0 : index
    %get3A_3 = tpu.vector_load %arg6[%get3A] {strides = array<i32>} : memref<16xf32, #tpu.memory_space<vmem>>, vector<16xf32>,
    %get3A_4 = vector.shape_cast %get3A_3 : vector<16xf32> to vector<16xf32>
    %get3A_5 = arith.constant 0 : index
    %get3A_6 = tpu.vector_load %arg7[%get3A_5] {strides = array<i32>} : memref<16xf32, #tpu.memory_space<vmem>>, vector<16xf32>,
    %get3A_7 = vector.shape_cast %get3A_6 : vector<16xf32> to vector<16xf32>
    %add3A_8 = arith.constant 0 : i32
    %add3A_9 = arith.addi %mul3A_2, %add3A_8 : i32
    %dma_start3A = arith.constant 0 : i32
    %dma_start3A_10 = tpu.memref_slice %arg4[%add3A_9, %dma_start3A] : memref<8192x2048xf32, #tpu.memory_space<hbm>> -> memref<8x2048xf32, #tpu.memory_space<hbm>>
    %dma_start3A_11 = arith.constant 0 : i32
    %dma_start3A_12 = tpu.memref_slice %arg4[%add3A_9, %dma_start3A_11] : memref<8192x2048xf32, #tpu.memory_space<hbm>> -> memref<8x2048xf32, #tpu.memory_space<hbm>>
    tpu.enqueue_dma source(%dma_start3A_12 : memref<8x2048xf32, #tpu.memory_space<hbm>>) target(%arg8 : memref<8x2048xf32, #tpu.memory_space<vmem>>) target_semaphore(%arg12 : memref<!tpu.dma_semaphore, #tpu.memory_space<semaphore_mem>>)
    %add3A_13 = arith.constant 8 : i32
    %add3A_14 = arith.addi %mul3A_2, %add3A_13 : i32
    %dma_start3A_15 = arith.constant 0 : i32
    %dma_start3A_16 = tpu.memref_slice %arg4[%add3A_14, %dma_start3A_15] : memref<8192x2048xf32, #tpu.memory_space<hbm>> -> memref<8x2048xf32, #tpu.memory_space<hbm>>
    %dma_start3A_17 = arith.constant 0 : i32
    %dma_start3A_18 = tpu.memref_slice %arg4[%add3A_14, %dma_start3A_17] : memref<8192x2048xf32, #tpu.memory_space<hbm>> -> memref<8x2048xf32, #tpu.memory_space<hbm>>
    tpu.enqueue_dma source(%dma_start3A_18 : memref<8x2048xf32, #tpu.memory_space<hbm>>) target(%arg9 : memref<8x2048xf32, #tpu.memory_space<vmem>>) target_semaphore(%arg13 : memref<!tpu.dma_semaphore, #tpu.memory_space<semaphore_mem>>)
    %scan3A = arith.constant 0 : i32
    %scan3A_19 = arith.constant 16 : i32
    %scan3A_20 = arith.addi %scan3A, %scan3A_19 : i32
    %scan3A_21 = arith.constant 1 : i32
    scf.for %scan3A_30 = %scan3A to %scan3A_20 step %scan3A_21  : i32 {
      %mul3A_31 = arith.constant 2 : i32
      %mul3A_32 = arith.muli %scan3A_30, %mul3A_31 : i32
      %add3A_33 = arith.constant 0 : i32
      %add3A_34 = arith.addi %add3A_33, %mul3A_32 : i32
      %add3A_35 = arith.constant 0 : i32
      %add3A_36 = arith.addi %add3A_34, %add3A_35 : i32
      %dma_wait3A_37 = arith.constant 0 : i32
      %dma_wait3A_38 = tpu.memref_slice %arg4[%mul3A_2, %dma_wait3A_37] : memref<8192x2048xf32, #tpu.memory_space<hbm>> -> memref<8x2048xf32, #tpu.memory_space<hbm>>
      %dma_wait3A_39 = arith.constant 0 : i32
      %dma_wait3A_40 = tpu.memref_slice %arg4[%mul3A_2, %dma_wait3A_39] : memref<8192x2048xf32, #tpu.memory_space<hbm>> -> memref<8x2048xf32, #tpu.memory_space<hbm>>
      tpu.wait_dma2 semaphore(%arg12 : memref<!tpu.dma_semaphore, #tpu.memory_space<semaphore_mem>>) src(%dma_wait3A_40 : memref<8x2048xf32, #tpu.memory_space<hbm>>) dst(%arg8 : memref<8x2048xf32, #tpu.memory_space<vmem>>)
      %ge3A = arith.constant 2 : i32
      %ge3A_41 = arith.cmpi sge, %add3A_36, %ge3A : i32
      %convert_element_type3A = arith.extui %ge3A_41 : i1 to i32
      %cond3A = arith.constant 0 : i32
      %cond3A_42 = arith.cmpi ne, %convert_element_type3A, %cond3A : i32
      scf.if %cond3A_42 {
        %dma_wait3A_86 = arith.constant 0 : i32
        %dma_wait3A_87 = tpu.memref_slice %arg5[%mul3A_2, %dma_wait3A_86] : memref<8192x2048xf32, #tpu.memory_space<hbm>> -> memref<8x2048xf32, #tpu.memory_space<hbm>>
        %dma_wait3A_88 = arith.constant 0 : i32
        %dma_wait3A_89 = tpu.memref_slice %arg5[%mul3A_2, %dma_wait3A_88] : memref<8192x2048xf32, #tpu.memory_space<hbm>> -> memref<8x2048xf32, #tpu.memory_space<hbm>>
        tpu.wait_dma2 semaphore(%arg14 : memref<!tpu.dma_semaphore, #tpu.memory_space<semaphore_mem>>) src(%arg10 : memref<8x2048xf32, #tpu.memory_space<vmem>>) dst(%dma_wait3A_89 : memref<8x2048xf32, #tpu.memory_space<hbm>>)
      } else {
      }
      %parallel_loop3A = arith.constant 0 : i32
      %parallel_loop3A_43 = arith.constant 1024 : i32
      %parallel_loop3A_44 = arith.constant 1 : i32
      scf.for %parallel_loop3A_86 = %parallel_loop3A to %parallel_loop3A_43 step %parallel_loop3A_44  : i32 {
        %parallel_loop3A_87 = arith.constant 128 : i32
        %parallel_loop3A_88 = arith.divsi %parallel_loop3A_86, %parallel_loop3A_87 : i32
        %parallel_loop3A_89 = arith.constant 0 : i32
        %parallel_loop3A_90 = arith.cmpi sgt, %parallel_loop3A_86, %parallel_loop3A_89 : i32
        %parallel_loop3A_91 = arith.extui %parallel_loop3A_90 : i1 to i32
        %parallel_loop3A_92 = arith.constant 0 : i32
        %parallel_loop3A_93 = arith.cmpi slt, %parallel_loop3A_86, %parallel_loop3A_92 : i32
        %parallel_loop3A_94 = arith.extui %parallel_loop3A_93 : i1 to i32
        %parallel_loop3A_95 = arith.subi %parallel_loop3A_91, %parallel_loop3A_94 : i32
        %parallel_loop3A_96 = arith.constant 0 : i32
        %parallel_loop3A_97 = arith.cmpi sgt, %parallel_loop3A_87, %parallel_loop3A_96 : i32
        %parallel_loop3A_98 = arith.extui %parallel_loop3A_97 : i1 to i32
        %parallel_loop3A_99 = arith.constant 0 : i32
        %parallel_loop3A_100 = arith.cmpi slt, %parallel_loop3A_87, %parallel_loop3A_99 : i32
        %parallel_loop3A_101 = arith.extui %parallel_loop3A_100 : i1 to i32
        %parallel_loop3A_102 = arith.subi %parallel_loop3A_98, %parallel_loop3A_101 : i32
        %parallel_loop3A_103 = arith.cmpi ne, %parallel_loop3A_95, %parallel_loop3A_102 : i32
        %parallel_loop3A_104 = arith.remsi %parallel_loop3A_86, %parallel_loop3A_87 : i32
        %parallel_loop3A_105 = arith.constant 0 : i32
        %parallel_loop3A_106 = arith.cmpi ne, %parallel_loop3A_104, %parallel_loop3A_105 : i32
        %parallel_loop3A_107 = arith.andi %parallel_loop3A_103, %parallel_loop3A_106 : i1
        %parallel_loop3A_108 = arith.constant 1 : i32
        %parallel_loop3A_109 = arith.subi %parallel_loop3A_88, %parallel_loop3A_108 : i32
        %parallel_loop3A_110 = arith.select %parallel_loop3A_107, %parallel_loop3A_109, %parallel_loop3A_88 : i32
        %parallel_loop3A_111 = arith.constant 128 : i32
        %parallel_loop3A_112 = arith.constant 0 : i32
        %parallel_loop3A_113 = arith.cmpi eq, %parallel_loop3A_111, %parallel_loop3A_112 : i32
        %parallel_loop3A_114 = arith.constant 1 : i32
        %parallel_loop3A_115 = arith.select %parallel_loop3A_113, %parallel_loop3A_114, %parallel_loop3A_111 : i32
        %parallel_loop3A_116 = arith.remsi %parallel_loop3A_86, %parallel_loop3A_115 : i32
        %parallel_loop3A_117 = arith.constant 0 : i32
        %parallel_loop3A_118 = arith.cmpi ne, %parallel_loop3A_116, %parallel_loop3A_117 : i32
        %parallel_loop3A_119 = arith.constant 0 : i32
        %parallel_loop3A_120 = arith.cmpi slt, %parallel_loop3A_116, %parallel_loop3A_119 : i32
        %parallel_loop3A_121 = arith.constant 0 : i32
        %parallel_loop3A_122 = arith.cmpi slt, %parallel_loop3A_115, %parallel_loop3A_121 : i32
        %parallel_loop3A_123 = arith.xori %parallel_loop3A_120, %parallel_loop3A_122 : i1
        %parallel_loop3A_124 = arith.andi %parallel_loop3A_123, %parallel_loop3A_118 : i1
        %parallel_loop3A_125 = arith.addi %parallel_loop3A_116, %parallel_loop3A_115 : i32
        %parallel_loop3A_126 = arith.select %parallel_loop3A_124, %parallel_loop3A_125, %parallel_loop3A_116 : i32
        %parallel_loop3A_127 = arith.constant 16 : i32
        %parallel_loop3A_128 = arith.muli %parallel_loop3A_126, %parallel_loop3A_127 : i32
        %parallel_loop3A_129 = arith.index_cast %parallel_loop3A_110 : i32 to index
        %parallel_loop3A_130 = arith.index_cast %parallel_loop3A_128 : i32 to index
        %parallel_loop3A_131 = tpu.vector_load %arg8[%parallel_loop3A_129, %parallel_loop3A_130] {strides = array<i32>} : memref<8x2048xf32, #tpu.memory_space<vmem>>, vector<1x16xf32>,
        %parallel_loop3A_132 = vector.shape_cast %parallel_loop3A_131 : vector<1x16xf32> to vector<16xf32>
        %parallel_loop3A_133 = arith.constant -1.000000e+00 : f32
        %parallel_loop3A_134 = vector.broadcast %parallel_loop3A_133 : f32 to vector<16xf32>
        %parallel_loop3A_135 = arith.maximumf %parallel_loop3A_132, %parallel_loop3A_134 : vector<16xf32>
        %parallel_loop3A_136 = arith.constant 2.000000e+00 : f32
        %parallel_loop3A_137 = vector.broadcast %parallel_loop3A_136 : f32 to vector<16xf32>
        %parallel_loop3A_138 = arith.mulf %parallel_loop3A_135, %parallel_loop3A_137 : vector<16xf32>
        %parallel_loop3A_139 = arith.constant 2.000000e+00 : f32
        %parallel_loop3A_140 = vector.broadcast %parallel_loop3A_139 : f32 to vector<16xf32>
        %parallel_loop3A_141 = arith.addf %parallel_loop3A_138, %parallel_loop3A_140 : vector<16xf32>
        %parallel_loop3A_142 = arith.fptosi %parallel_loop3A_141 : vector<16xf32> to vector<16xi32>
        %parallel_loop3A_143 = vector.shape_cast %parallel_loop3A_142 : vector<16xi32> to vector<16x1xi32>
        %parallel_loop3A_144 = vector.shape_cast %parallel_loop3A_143 : vector<16x1xi32> to vector<16xi32>
        %parallel_loop3A_145 = tpu.dynamic_gather %get3A_4[%parallel_loop3A_144] in [0] : vector<16xf32>, vector<16xi32> -> vector<16xf32>
        %parallel_loop3A_146 = vector.shape_cast %parallel_loop3A_142 : vector<16xi32> to vector<16x1xi32>
        %parallel_loop3A_147 = vector.shape_cast %parallel_loop3A_146 : vector<16x1xi32> to vector<16xi32>
        %parallel_loop3A_148 = tpu.dynamic_gather %get3A_7[%parallel_loop3A_147] in [0] : vector<16xf32>, vector<16xi32> -> vector<16xf32>
        %parallel_loop3A_149 = arith.mulf %parallel_loop3A_148, %parallel_loop3A_135 : vector<16xf32>
        %parallel_loop3A_150 = arith.addf %parallel_loop3A_145, %parallel_loop3A_149 : vector<16xf32>
        %parallel_loop3A_151 = arith.index_cast %parallel_loop3A_110 : i32 to index
        %parallel_loop3A_152 = arith.index_cast %parallel_loop3A_128 : i32 to index
        %parallel_loop3A_153 = tpu.vector_load %arg10[%parallel_loop3A_151, %parallel_loop3A_152] {strides = array<i32>} : memref<8x2048xf32, #tpu.memory_space<vmem>>, vector<1x16xf32>,
        %parallel_loop3A_154 = vector.shape_cast %parallel_loop3A_153 : vector<1x16xf32> to vector<16xf32>
        %parallel_loop3A_155 = vector.shape_cast %parallel_loop3A_150 : vector<16xf32> to vector<1x16xf32>
        tpu.vector_store %arg10[%parallel_loop3A_151, %parallel_loop3A_152], %parallel_loop3A_155 {strides = array<i32>} : memref<8x2048xf32, #tpu.memory_space<vmem>>, vector<1x16xf32>,
      } {sc.loop_unroll_factor = 8 : i64, sc.parallel_access}
      %mul3A_45 = arith.constant 8 : i32
      %mul3A_46 = arith.muli %add3A_36, %mul3A_45 : i32
      %add3A_47 = arith.addi %mul3A_2, %mul3A_46 : i32
      %dma_start3A_48 = arith.constant 0 : i32
      %dma_start3A_49 = tpu.memref_slice %arg5[%add3A_47, %dma_start3A_48] : memref<8192x2048xf32, #tpu.memory_space<hbm>> -> memref<8x2048xf32, #tpu.memory_space<hbm>>
      %dma_start3A_50 = arith.constant 0 : i32
      %dma_start3A_51 = tpu.memref_slice %arg5[%add3A_47, %dma_start3A_50] : memref<8192x2048xf32, #tpu.memory_space<hbm>> -> memref<8x2048xf32, #tpu.memory_space<hbm>>
      tpu.enqueue_dma source(%arg10 : memref<8x2048xf32, #tpu.memory_space<vmem>>) target(%dma_start3A_51 : memref<8x2048xf32, #tpu.memory_space<hbm>>) target_semaphore(%arg14 : memref<!tpu.dma_semaphore, #tpu.memory_space<semaphore_mem>>)
      %add3A_52 = arith.constant 2 : i32
      %add3A_53 = arith.addi %add3A_36, %add3A_52 : i32
      %lt3A = arith.constant 32 : i32
      %lt3A_54 = arith.cmpi slt, %add3A_53, %lt3A : i32
      %convert_element_type3A_55 = arith.extui %lt3A_54 : i1 to i32
      %cond3A_56 = arith.constant 0 : i32
      %cond3A_57 = arith.cmpi ne, %convert_element_type3A_55, %cond3A_56 : i32
      scf.if %cond3A_57 {
        %add3A_86 = arith.constant 2 : i32
        %add3A_87 = arith.addi %add3A_36, %add3A_86 : i32
        %mul3A_88 = arith.constant 8 : i32
        %mul3A_89 = arith.muli %add3A_87, %mul3A_88 : i32
        %add3A_90 = arith.addi %mul3A_2, %mul3A_89 : i32
        %dma_start3A_91 = arith.constant 0 : i32
        %dma_start3A_92 = tpu.memref_slice %arg4[%add3A_90, %dma_start3A_91] : memref<8192x2048xf32, #tpu.memory_space<hbm>> -> memref<8x2048xf32, #tpu.memory_space<hbm>>
        %dma_start3A_93 = arith.constant 0 : i32
        %dma_start3A_94 = tpu.memref_slice %arg4[%add3A_90, %dma_start3A_93] : memref<8192x2048xf32, #tpu.memory_space<hbm>> -> memref<8x2048xf32, #tpu.memory_space<hbm>>
        tpu.enqueue_dma source(%dma_start3A_94 : memref<8x2048xf32, #tpu.memory_space<hbm>>) target(%arg8 : memref<8x2048xf32, #tpu.memory_space<vmem>>) target_semaphore(%arg12 : memref<!tpu.dma_semaphore, #tpu.memory_space<semaphore_mem>>)
      } else {
      }
      %add3A_58 = arith.constant 1 : i32
      %add3A_59 = arith.addi %add3A_34, %add3A_58 : i32
      %dma_wait3A_60 = arith.constant 0 : i32
      %dma_wait3A_61 = tpu.memref_slice %arg4[%mul3A_2, %dma_wait3A_60] : memref<8192x2048xf32, #tpu.memory_space<hbm>> -> memref<8x2048xf32, #tpu.memory_space<hbm>>
      %dma_wait3A_62 = arith.constant 0 : i32
      %dma_wait3A_63 = tpu.memref_slice %arg4[%mul3A_2, %dma_wait3A_62] : memref<8192x2048xf32, #tpu.memory_space<hbm>> -> memref<8x2048xf32, #tpu.memory_space<hbm>>
      tpu.wait_dma2 semaphore(%arg13 : memref<!tpu.dma_semaphore, #tpu.memory_space<semaphore_mem>>) src(%dma_wait3A_63 : memref<8x2048xf32, #tpu.memory_space<hbm>>) dst(%arg9 : memref<8x2048xf32, #tpu.memory_space<vmem>>)
      %ge3A_64 = arith.constant 2 : i32
      %ge3A_65 = arith.cmpi sge, %add3A_59, %ge3A_64 : i32
      %convert_element_type3A_66 = arith.extui %ge3A_65 : i1 to i32
      %cond3A_67 = arith.constant 0 : i32
      %cond3A_68 = arith.cmpi ne, %convert_element_type3A_66, %cond3A_67 : i32
      scf.if %cond3A_68 {
        %dma_wait3A_86 = arith.constant 0 : i32
        %dma_wait3A_87 = tpu.memref_slice %arg5[%mul3A_2, %dma_wait3A_86] : memref<8192x2048xf32, #tpu.memory_space<hbm>> -> memref<8x2048xf32, #tpu.memory_space<hbm>>
        %dma_wait3A_88 = arith.constant 0 : i32
        %dma_wait3A_89 = tpu.memref_slice %arg5[%mul3A_2, %dma_wait3A_88] : memref<8192x2048xf32, #tpu.memory_space<hbm>> -> memref<8x2048xf32, #tpu.memory_space<hbm>>
        tpu.wait_dma2 semaphore(%arg15 : memref<!tpu.dma_semaphore, #tpu.memory_space<semaphore_mem>>) src(%arg11 : memref<8x2048xf32, #tpu.memory_space<vmem>>) dst(%dma_wait3A_89 : memref<8x2048xf32, #tpu.memory_space<hbm>>)
      } else {
      }
      %parallel_loop3A_69 = arith.constant 0 : i32
      %parallel_loop3A_70 = arith.constant 1024 : i32
      %parallel_loop3A_71 = arith.constant 1 : i32
      scf.for %parallel_loop3A_86 = %parallel_loop3A_69 to %parallel_loop3A_70 step %parallel_loop3A_71  : i32 {
        %parallel_loop3A_87 = arith.constant 128 : i32
        %parallel_loop3A_88 = arith.divsi %parallel_loop3A_86, %parallel_loop3A_87 : i32
        %parallel_loop3A_89 = arith.constant 0 : i32
        %parallel_loop3A_90 = arith.cmpi sgt, %parallel_loop3A_86, %parallel_loop3A_89 : i32
        %parallel_loop3A_91 = arith.extui %parallel_loop3A_90 : i1 to i32
        %parallel_loop3A_92 = arith.constant 0 : i32
        %parallel_loop3A_93 = arith.cmpi slt, %parallel_loop3A_86, %parallel_loop3A_92 : i32
        %parallel_loop3A_94 = arith.extui %parallel_loop3A_93 : i1 to i32
        %parallel_loop3A_95 = arith.subi %parallel_loop3A_91, %parallel_loop3A_94 : i32
        %parallel_loop3A_96 = arith.constant 0 : i32
        %parallel_loop3A_97 = arith.cmpi sgt, %parallel_loop3A_87, %parallel_loop3A_96 : i32
        %parallel_loop3A_98 = arith.extui %parallel_loop3A_97 : i1 to i32
        %parallel_loop3A_99 = arith.constant 0 : i32
        %parallel_loop3A_100 = arith.cmpi slt, %parallel_loop3A_87, %parallel_loop3A_99 : i32
        %parallel_loop3A_101 = arith.extui %parallel_loop3A_100 : i1 to i32
        %parallel_loop3A_102 = arith.subi %parallel_loop3A_98, %parallel_loop3A_101 : i32
        %parallel_loop3A_103 = arith.cmpi ne, %parallel_loop3A_95, %parallel_loop3A_102 : i32
        %parallel_loop3A_104 = arith.remsi %parallel_loop3A_86, %parallel_loop3A_87 : i32
        %parallel_loop3A_105 = arith.constant 0 : i32
        %parallel_loop3A_106 = arith.cmpi ne, %parallel_loop3A_104, %parallel_loop3A_105 : i32
        %parallel_loop3A_107 = arith.andi %parallel_loop3A_103, %parallel_loop3A_106 : i1
        %parallel_loop3A_108 = arith.constant 1 : i32
        %parallel_loop3A_109 = arith.subi %parallel_loop3A_88, %parallel_loop3A_108 : i32
        %parallel_loop3A_110 = arith.select %parallel_loop3A_107, %parallel_loop3A_109, %parallel_loop3A_88 : i32
        %parallel_loop3A_111 = arith.constant 128 : i32
        %parallel_loop3A_112 = arith.constant 0 : i32
        %parallel_loop3A_113 = arith.cmpi eq, %parallel_loop3A_111, %parallel_loop3A_112 : i32
        %parallel_loop3A_114 = arith.constant 1 : i32
        %parallel_loop3A_115 = arith.select %parallel_loop3A_113, %parallel_loop3A_114, %parallel_loop3A_111 : i32
        %parallel_loop3A_116 = arith.remsi %parallel_loop3A_86, %parallel_loop3A_115 : i32
        %parallel_loop3A_117 = arith.constant 0 : i32
        %parallel_loop3A_118 = arith.cmpi ne, %parallel_loop3A_116, %parallel_loop3A_117 : i32
        %parallel_loop3A_119 = arith.constant 0 : i32
        %parallel_loop3A_120 = arith.cmpi slt, %parallel_loop3A_116, %parallel_loop3A_119 : i32
        %parallel_loop3A_121 = arith.constant 0 : i32
        %parallel_loop3A_122 = arith.cmpi slt, %parallel_loop3A_115, %parallel_loop3A_121 : i32
        %parallel_loop3A_123 = arith.xori %parallel_loop3A_120, %parallel_loop3A_122 : i1
        %parallel_loop3A_124 = arith.andi %parallel_loop3A_123, %parallel_loop3A_118 : i1
        %parallel_loop3A_125 = arith.addi %parallel_loop3A_116, %parallel_loop3A_115 : i32
        %parallel_loop3A_126 = arith.select %parallel_loop3A_124, %parallel_loop3A_125, %parallel_loop3A_116 : i32
        %parallel_loop3A_127 = arith.constant 16 : i32
        %parallel_loop3A_128 = arith.muli %parallel_loop3A_126, %parallel_loop3A_127 : i32
        %parallel_loop3A_129 = arith.index_cast %parallel_loop3A_110 : i32 to index
        %parallel_loop3A_130 = arith.index_cast %parallel_loop3A_128 : i32 to index
        %parallel_loop3A_131 = tpu.vector_load %arg9[%parallel_loop3A_129, %parallel_loop3A_130] {strides = array<i32>} : memref<8x2048xf32, #tpu.memory_space<vmem>>, vector<1x16xf32>,
        %parallel_loop3A_132 = vector.shape_cast %parallel_loop3A_131 : vector<1x16xf32> to vector<16xf32>
        %parallel_loop3A_133 = arith.constant -1.000000e+00 : f32
        %parallel_loop3A_134 = vector.broadcast %parallel_loop3A_133 : f32 to vector<16xf32>
        %parallel_loop3A_135 = arith.maximumf %parallel_loop3A_132, %parallel_loop3A_134 : vector<16xf32>
        %parallel_loop3A_136 = arith.constant 2.000000e+00 : f32
        %parallel_loop3A_137 = vector.broadcast %parallel_loop3A_136 : f32 to vector<16xf32>
        %parallel_loop3A_138 = arith.mulf %parallel_loop3A_135, %parallel_loop3A_137 : vector<16xf32>
        %parallel_loop3A_139 = arith.constant 2.000000e+00 : f32
        %parallel_loop3A_140 = vector.broadcast %parallel_loop3A_139 : f32 to vector<16xf32>
        %parallel_loop3A_141 = arith.addf %parallel_loop3A_138, %parallel_loop3A_140 : vector<16xf32>
        %parallel_loop3A_142 = arith.fptosi %parallel_loop3A_141 : vector<16xf32> to vector<16xi32>
        %parallel_loop3A_143 = vector.shape_cast %parallel_loop3A_142 : vector<16xi32> to vector<16x1xi32>
        %parallel_loop3A_144 = vector.shape_cast %parallel_loop3A_143 : vector<16x1xi32> to vector<16xi32>
        %parallel_loop3A_145 = tpu.dynamic_gather %get3A_4[%parallel_loop3A_144] in [0] : vector<16xf32>, vector<16xi32> -> vector<16xf32>
        %parallel_loop3A_146 = vector.shape_cast %parallel_loop3A_142 : vector<16xi32> to vector<16x1xi32>
        %parallel_loop3A_147 = vector.shape_cast %parallel_loop3A_146 : vector<16x1xi32> to vector<16xi32>
        %parallel_loop3A_148 = tpu.dynamic_gather %get3A_7[%parallel_loop3A_147] in [0] : vector<16xf32>, vector<16xi32> -> vector<16xf32>
        %parallel_loop3A_149 = arith.mulf %parallel_loop3A_148, %parallel_loop3A_135 : vector<16xf32>
        %parallel_loop3A_150 = arith.addf %parallel_loop3A_145, %parallel_loop3A_149 : vector<16xf32>
        %parallel_loop3A_151 = arith.index_cast %parallel_loop3A_110 : i32 to index
        %parallel_loop3A_152 = arith.index_cast %parallel_loop3A_128 : i32 to index
        %parallel_loop3A_153 = tpu.vector_load %arg11[%parallel_loop3A_151, %parallel_loop3A_152] {strides = array<i32>} : memref<8x2048xf32, #tpu.memory_space<vmem>>, vector<1x16xf32>,
        %parallel_loop3A_154 = vector.shape_cast %parallel_loop3A_153 : vector<1x16xf32> to vector<16xf32>
        %parallel_loop3A_155 = vector.shape_cast %parallel_loop3A_150 : vector<16xf32> to vector<1x16xf32>
        tpu.vector_store %arg11[%parallel_loop3A_151, %parallel_loop3A_152], %parallel_loop3A_155 {strides = array<i32>} : memref<8x2048xf32, #tpu.memory_space<vmem>>, vector<1x16xf32>,
      } {sc.loop_unroll_factor = 8 : i64, sc.parallel_access}
      %mul3A_72 = arith.constant 8 : i32
      %mul3A_73 = arith.muli %add3A_59, %mul3A_72 : i32
      %add3A_74 = arith.addi %mul3A_2, %mul3A_73 : i32
      %dma_start3A_75 = arith.constant 0 : i32
      %dma_start3A_76 = tpu.memref_slice %arg5[%add3A_74, %dma_start3A_75] : memref<8192x2048xf32, #tpu.memory_space<hbm>> -> memref<8x2048xf32, #tpu.memory_space<hbm>>
      %dma_start3A_77 = arith.constant 0 : i32
      %dma_start3A_78 = tpu.memref_slice %arg5[%add3A_74, %dma_start3A_77] : memref<8192x2048xf32, #tpu.memory_space<hbm>> -> memref<8x2048xf32, #tpu.memory_space<hbm>>
      tpu.enqueue_dma source(%arg11 : memref<8x2048xf32, #tpu.memory_space<vmem>>) target(%dma_start3A_78 : memref<8x2048xf32, #tpu.memory_space<hbm>>) target_semaphore(%arg15 : memref<!tpu.dma_semaphore, #tpu.memory_space<semaphore_mem>>)
      %add3A_79 = arith.constant 2 : i32
      %add3A_80 = arith.addi %add3A_59, %add3A_79 : i32
      %lt3A_81 = arith.constant 32 : i32
      %lt3A_82 = arith.cmpi slt, %add3A_80, %lt3A_81 : i32
      %convert_element_type3A_83 = arith.extui %lt3A_82 : i1 to i32
      %cond3A_84 = arith.constant 0 : i32
      %cond3A_85 = arith.cmpi ne, %convert_element_type3A_83, %cond3A_84 : i32
      scf.if %cond3A_85 {
        %add3A_86 = arith.constant 2 : i32
        %add3A_87 = arith.addi %add3A_59, %add3A_86 : i32
        %mul3A_88 = arith.constant 8 : i32
        %mul3A_89 = arith.muli %add3A_87, %mul3A_88 : i32
        %add3A_90 = arith.addi %mul3A_2, %mul3A_89 : i32
        %dma_start3A_91 = arith.constant 0 : i32
        %dma_start3A_92 = tpu.memref_slice %arg4[%add3A_90, %dma_start3A_91] : memref<8192x2048xf32, #tpu.memory_space<hbm>> -> memref<8x2048xf32, #tpu.memory_space<hbm>>
        %dma_start3A_93 = arith.constant 0 : i32
        %dma_start3A_94 = tpu.memref_slice %arg4[%add3A_90, %dma_start3A_93] : memref<8192x2048xf32, #tpu.memory_space<hbm>> -> memref<8x2048xf32, #tpu.memory_space<hbm>>
        tpu.enqueue_dma source(%dma_start3A_94 : memref<8x2048xf32, #tpu.memory_space<hbm>>) target(%arg9 : memref<8x2048xf32, #tpu.memory_space<vmem>>) target_semaphore(%arg13 : memref<!tpu.dma_semaphore, #tpu.memory_space<semaphore_mem>>)
      } else {
      }
    }
    %scan3A_22 = arith.constant 16 : i32
    %dma_wait3A = arith.constant 0 : i32
    %dma_wait3A_23 = tpu.memref_slice %arg5[%mul3A_2, %dma_wait3A] : memref<8192x2048xf32, #tpu.memory_space<hbm>> -> memref<8x2048xf32, #tpu.memory_space<hbm>>
    %dma_wait3A_24 = arith.constant 0 : i32
    %dma_wait3A_25 = tpu.memref_slice %arg5[%mul3A_2, %dma_wait3A_24] : memref<8192x2048xf32, #tpu.memory_space<hbm>> -> memref<8x2048xf32, #tpu.memory_space<hbm>>
    tpu.wait_dma2 semaphore(%arg14 : memref<!tpu.dma_semaphore, #tpu.memory_space<semaphore_mem>>) src(%arg10 : memref<8x2048xf32, #tpu.memory_space<vmem>>) dst(%dma_wait3A_25 : memref<8x2048xf32, #tpu.memory_space<hbm>>)
    %dma_wait3A_26 = arith.constant 0 : i32
    %dma_wait3A_27 = tpu.memref_slice %arg5[%mul3A_2, %dma_wait3A_26] : memref<8192x2048xf32, #tpu.memory_space<hbm>> -> memref<8x2048xf32, #tpu.memory_space<hbm>>
    %dma_wait3A_28 = arith.constant 0 : i32
    %dma_wait3A_29 = tpu.memref_slice %arg5[%mul3A_2, %dma_wait3A_28] : memref<8192x2048xf32, #tpu.memory_space<hbm>> -> memref<8x2048xf32, #tpu.memory_space<hbm>>
    tpu.wait_dma2 semaphore(%arg15 : memref<!tpu.dma_semaphore, #tpu.memory_space<semaphore_mem>>) src(%arg11 : memref<8x2048xf32, #tpu.memory_space<vmem>>) dst(%dma_wait3A_29 : memref<8x2048xf32, #tpu.memory_space<hbm>>)
    return
  }
}

</mosaic_0001>

<sc_bundles>
// kernel: kernel.3.cloned.1.call-start
scs
__scs_entry_jumppad:
0x0: {  	(pc) =	sbr.rel $0x88, $3  }
0x1: {  	(tag) =	ssettag $0x0;
	lr =	simm.s32 $0x1  }
0x2: {  	[smem:$0x3F9F] =	sst lr;
	_ =	strace $0xD0000000  }
0x3: {  	_ = 	snop  }
0x4: {  	_ = 	snop  }
0x5: {  	_ = 	snop  }
0x6: {  	_ = 	snop  }
0x7: {  	_ = 	snop  }
__scs_overlays_trampoline_lowered:
0x8: {  	[smem:$0x3FAE] =	sst s0  }
0x9: {  	[smem:$0x3FAF] =	sst s1  }
0xa: {  	[smem:$0x3FB0] =	sst s2  }
0xb: {  	[smem:$0x3FB1] =	sst s3  }
0xc: {  	[smem:$0x3FB2] =	sst s4  }
0xd: {  	[smem:$0x3FB3] =	sst s5  }
0xe: {  	[smem:$0x3FB4] =	sst s6  }
0xf: {  	[smem:$0x3FB5] =	sst s7  }
0x10: {  	[smem:$0x3FB6] =	sst s8  }
0x11: {  	[smem:$0x3FB7] =	sst s9;
	s0 =	simm.s32 @!p0 $0x0  }
0x12: {  	s1 =	sld [smem:$0x3F9D];
	s0 =	simm.s32 @p0 $0x1  }
0x13: {  	[smem:$0x3FB8] =	sst s0;
	s0 =	simm.s32 @!p1 $0x0  }
0x14: {  	s2 =	sld [smem:$0x3F9C];
	s0 =	simm.s32 @p1 $0x1  }
0x15: {  	[smem:$0x3FB9] =	sst s0;
	s0 =	simm.s32 @!p2 $0x0  }
0x16: {  	s3 =	sld [smem:$0x3FDB];
	s0 =	simm.s32 @p2 $0x1  }
0x17: {  	s4 =	simm.s32 $0x1BF5;
	[smem:$0x3FBB] =	sst s0  }
0x18: {  	s0 =	sld [smem:$0x3F9E];
	_ =	swait.ge [sflag:s4], $0x0  }
0x19: {  	s7 =	sld [smem:$0x3F9F]  }
0x1a: {  	s8 =	sadd.s32 $0xFFFFE003, lr  }
0x1b: {  	s9 =	sadd.s32 $0xFFFFFEF7, lr;
	s5 =	simm.s32 $0xFFFFFFFF;
	p2 =	slt.u32 s8, $0xFFFFF086  }
0x1c: {  	p1 =	slt.u32 s9, $0xF7A;
	s5 =	simm.s32 @!p2 $0x0  }
0x1d: {  	s5 =	simm.s32 @p1 $0x1;
	p0 =	seq.s32 s7, s2  }
0x1e: {  	s7 =	smul.u32 @!p0 $0xF7A, s2;
	p2 =	seq.s32 @!p0 s5, $0x0  }
0x1f: {  	s9 =	smul.u32 $0xF7A, s1;
	s8 =	simm.s32 @!p0 $0x1BF5;
	p2 =	por !p2, p0  }
0x20: {  	[sflag:s8] =	ssyncset.s32 @!p0 $0xFFFFF086;
	s6 =	sadd.s32 @!p0 s3, s7;
	s7 =	simm.s32 @!p0 $0x108  }
0x21: {  	s3 =	sadd.s32 s3, s9;
	s6 =	sadd.s32 @!p0 $0x88, s6;
	s7 =	simm.s32 @p2 $0x1082  }
0x22: {  	[simem:s7], [sflag:s8] =	dma.local @!p0 [hbm:s6], $0xF7A  }
0x23: {  	s9 =	sor.u32 $0xD0000000, s2;
	s6 =	simm.s32 $0x108;
	_ =	swait.ge @!p0 [sflag:s8], $0x0  }
0x24: {  	s3 =	sadd.s32 $0x88, s3;
	s6 =	simm.s32 @!p1 $0x1082;
	[sflag:s4] =	ssyncset.s32 $0xFFFFF086  }
0x25: {  	[simem:s6], [sflag:s4] =	dma.local [hbm:s3], $0xF7A  }
0x26: {  	[smem:$0x3F9F] =	sst s1;
	(tag) =	ssettag s2;
	_ =	strace s9  }
0x27: {  	s1 =	sld [smem:$0x3FAF]  }
0x28: {  	s2 =	sld [smem:$0x3FB0]  }
0x29: {  	s4 =	sld [smem:$0x3FB2]  }
0x2a: {  	p0 =	seq.s32 s5, $0x0;
	s5 =	sld [smem:$0x3FB3]  }
0x2b: {  	s6 =	sld [smem:$0x3FB4]  }
0x2c: {  	s7 =	sld [smem:$0x3FB5]  }
0x2d: {  	s3 =	simm.s32 $0x108;
	s8 =	sld [smem:$0x3FB6]  }
0x2e: {  	s3 =	simm.s32 @!p0 $0x1082;
	s9 =	sld [smem:$0x3FB7]  }
0x2f: {  	lr =	sadd.s32 s0, s3;
	s0 =	sld [smem:$0x3FAE]  }
0x30: {  	s3 =	sld [smem:$0x3FB1]  }
0x31: {  	[smem:$0x3FBA] =	sst s10  }
0x32: {  	s10 =	sld [smem:$0x3FB8];
	_ =	sdelay $0x3  }
0x33: {  	p0 =	seq.s32 s10, $0x1;
	s10 =	sld [smem:$0x3FBA];
	_ =	sdelay $0x3  }
0x34: {  	[smem:$0x3FBA] =	sst s10  }
0x35: {  	s10 =	sld [smem:$0x3FB9];
	_ =	sdelay $0x3  }
0x36: {  	p1 =	seq.s32 s10, $0x1;
	s10 =	sld [smem:$0x3FBA];
	_ =	sdelay $0x3  }
0x37: {  	[smem:$0x3FBA] =	sst s10  }
0x38: {  	s10 =	sld [smem:$0x3FBB]  }
0x39: {  	_ = 	snop;
	(pc) =	sbr.ind lr, $3  }
0x3a: {  	_ = 	snop  }
0x3b: {  	_ = 	snop  }
0x3c: {  	p2 =	seq.s32 s10, $0x1;
	s10 =	sld [smem:$0x3FBA]  }
0x3d: {  	_ =	shalt  }
0x3e: {  	_ =	shalt  }
0x3f: {  	_ =	shalt  }
0x40: {  	_ =	shalt  }
0x41: {  	_ =	shalt  }
0x42: {  	_ =	shalt  }
0x43: {  	_ =	shalt  }
0x44: {  	_ =	shalt  }
0x45: {  	_ =	shalt  }
0x46: {  	_ =	shalt  }
0x47: {  	_ =	shalt  }
0x48: {  	_ =	shalt  }
0x49: {  	_ =	shalt  }
0x4a: {  	_ =	shalt  }
0x4b: {  	_ =	shalt  }
0x4c: {  	_ =	shalt  }
0x4d: {  	_ =	shalt  }
0x4e: {  	_ =	shalt  }
0x4f: {  	_ =	shalt  }
0x50: {  	_ =	shalt  }
0x51: {  	_ =	shalt  }
0x52: {  	_ =	shalt  }
0x53: {  	_ =	shalt  }
0x54: {  	_ =	shalt  }
0x55: {  	_ =	shalt  }
0x56: {  	_ =	shalt  }
0x57: {  	_ =	shalt  }
0x58: {  	_ =	shalt  }
0x59: {  	_ =	shalt  }
0x5a: {  	_ =	shalt  }
0x5b: {  	_ =	shalt  }
0x5c: {  	_ =	shalt  }
0x5d: {  	_ =	shalt  }
0x5e: {  	_ =	shalt  }
0x5f: {  	_ =	shalt  }
0x60: {  	_ =	shalt  }
0x61: {  	_ =	shalt  }
0x62: {  	_ =	shalt  }
0x63: {  	_ =	shalt  }
0x64: {  	_ =	shalt  }
0x65: {  	_ =	shalt  }
0x66: {  	_ =	shalt  }
0x67: {  	_ =	shalt  }
0x68: {  	_ =	shalt  }
0x69: {  	_ =	shalt  }
0x6a: {  	_ =	shalt  }
0x6b: {  	_ =	shalt  }
0x6c: {  	_ =	shalt  }
0x6d: {  	_ =	shalt  }
0x6e: {  	_ =	shalt  }
0x6f: {  	_ =	shalt  }
0x70: {  	_ =	shalt  }
0x71: {  	_ =	shalt  }
0x72: {  	_ =	shalt  }
0x73: {  	_ =	shalt  }
0x74: {  	_ =	shalt  }
0x75: {  	_ =	shalt  }
0x76: {  	_ =	shalt  }
0x77: {  	_ =	shalt  }
0x78: {  	_ =	shalt  }
0x79: {  	_ =	shalt  }
0x7a: {  	_ =	shalt  }
0x7b: {  	_ =	shalt  }
0x7c: {  	_ =	shalt  }
0x7d: {  	_ =	shalt  }
0x7e: {  	_ =	shalt  }
0x7f: {  	_ =	shalt  }
0x80: {  	_ =	shalt  }
0x81: {  	_ =	shalt  }
0x82: {  	_ =	shalt  }
0x83: {  	_ =	shalt  }
0x84: {  	_ =	shalt  }
0x85: {  	_ =	shalt  }
0x86: {  	_ =	shalt  }
0x87: {  	_ =	shalt  }
.Lfunc_end0:
.L_simem_size_0:
called_computation_lowered:
.L_overlay_start_0:
0x88: {  	s2 =	sld [smem:$0x3FD9]  }
0x89: {  	s3 =	sld [smem:$0x3FFE];
	_ =	sdelay $0x1  }
0x8a: {  	s1 =	srdreg.scid  }
0x8b: {  	s0 =	sand.u32 $0x1, s1  }
0x8c: {  	s17 =	sshll.u32 s0, $0xA;
	s2 =	sadd.s32 s3, s2  }
0x8d: {  	s2 =	sadd.s32 s2, s17  }
0x8e: {  	[smem:$0x3FC6] =	sst s2  }
0x8f: {  	_ = 	snop  }
0x90: {  	s2 =	sld [smem:$0x3FC9]  }
0x91: {  	s18 =	sld [smem:$0x3FD0];
	(tm) =	ssettm $0x1  }
0x92: {  	s4 =	sld [smem:$0x3FFB];
	_ =	sdelay $0x3  }
0x93: {  	_ =	strace s4  }
0x94: {  	s4 =	sld [smem:$0x3FFC];
	_ =	sdelay $0x3  }
0x95: {  	_ =	strace s4  }
0x96: {  	s4 =	sld [smem:$0x3FFD];
	_ =	sdelay $0x3  }
0x97: {  	_ =	strace s4  }
0x98: {  	_ =	strace $0x8FFFFFFF  }
0x99: {  	s19 =	sld [smem:$0x3FDB];
	_ =	sdelay $0x1  }
0x9a: {  	s5 =	simm.s32 $_scs_section_size  }
0x9b: {  	s6 =	simm.s32 $_size__tile_overlayer_lowered;
	s7 =	simm.s32 $_tile_overlayer_lowered  }
0x9c: {  	s22 =	simm.s32 $0x1BFF;
	s21 =	sshll.u32 s7, $0x1;
	s4 =	sadd.s32 s5, s19  }
0x9d: {  	s8 =	simm.s32 $0x0;
	s20 =	sshll.u32 s6, $0x1;
	s6 =	sadd.s32 s21, s4  }
0x9e: {  	[timem:s8], [sflag:s22] =	dma.local [hbm:s6], s20  }
0x9f: {  	_ =	swait.ge [sflag:s22], s20  }
0xa0: {  	s5 =	ssub.s32 $0x0, s20;
	[sflag:s22] =	ssyncset.done $0x0  }
0xa1: {  	[sflag:s22] =	ssyncadd.s32 s5;
	_ =	sdelay $0x1  }
0xa2: {  	s23 =	simm.s32 $0x1B8B  }
0xa3: {  	_ =	swait.ge [sflag:s23], $0x1  }
0xa4: {  	[sflag:s23] =	ssyncset.done $0x0  }
0xa5: {  	s25 =	simm.s32 $0x1B8E;
	s24 =	sld [smem:$0x3FFE];
	[sflag:s23] =	ssyncadd.s32 $0xFFFFFFFF  }
0xa6: {  	s26 =	simm.s32 $execute0_lowered;
	[smem:$0x3FD2] =	sst s25  }
0xa7: {  	s6 =	sshll.u32 s26, $0x1;
	_ =	strace $0x80000046;
	[dreg:$0x1] =	wrdreg $0xFFFFFFFF  }
0xa8: {  	s28 =	simm.s32 $_size_execute0_lowered;
	s4 =	sadd.s32 s4, s6;
	[dreg:$0x0] =	wrdreg $0x0  }
0xa9: {  	s6 =	sshll.u32 s28, $0x1;
	[dreg:$0x2] =	wrdreg s4  }
0xaa: {  	[dreg:$0x3] =	wrdreg s6  }
0xab: {  	[dreg:$0x4] =	wrdreg $0xC0  }
0xac: {  	_ =	task [dreg:s8], $0x5FFFF  }
0xad: {  	[dreg:$0x1] =	wrdreg $0xFFFFFFFF  }
0xae: {  	[dreg:$0x0] =	wrdreg $0x60  }
0xaf: {  	[dreg:$0x2] =	wrdreg s24  }
0xb0: {  	[dreg:$0x3] =	wrdreg s2  }
0xb1: {  	[dreg:$0x4] =	wrdreg s18  }
0xb2: {  	[dreg:$0x5] =	wrdreg $0x9  }
0xb3: {  	_ =	task.clear_ibuf [dreg:s8], $0x6FFFF;
	_ =	strace $0x90000046  }
0xb4: {  	s29 =	simm.s32 $0x9;
	_ =	strace $0x80000048  }
0xb5: {  	_ =	swait.ge [sflag:s29], $0x1  }
0xb6: {  	[sflag:s29] =	ssyncadd.s32 $0xFFFFFFFF  }
0xb7: {  	_ =	strace $0x90000048  }
0xb8: {  	_ =	sfence  }
0xb9: {  	s30 =	sld [smem:$0x0];
	_ =	sdelay $0x2  }
0xba: {  	s31 =	sshll.u32 s1, $0xD;
	s1 =	sshrl.u32 s1, $0x2  }
0xbb: {  	s3 =	sand.u32 $0x4000, s31;
	s1 =	sadd.s32 s1, s30  }
0xbc: {  	s0 =	sor.u32 s3, s0;
	s1 =	sshll.u32 s1, $0x11  }
0xbd: {  	s0 =	sor.u32 s1, s0  }
0xbe: {  	s0 =	sadd.s32 $0x8F2B, s0  }
0xbf: {  	[sflag:s0] =	ssyncadd.remote.s32 $0x1  }
0xc0: {  	_ =	sfence.sel $0xFFFF  }
0xc1: {  	[dreg:$0x0] =	wrdreg $0xFFFFFFFF;
	(pc) =	sbr.abs _section_cstart, $3  }
0xc2: {  	[dreg:$0x1] =	wrdreg $0xFFFFFFFF  }
0xc3: {  	_ =	task.clear_ibuf [dreg:s8], $0x2FFFF;
	_ =	strace $0x9FFFFFFF  }
0xc4: {  	(tm) =	ssettm $0x7FFFFFFF  }
0xc5: {  	_ =	shalt  }
tec
execute0_lowered:
.L_overlay_start_1:
0x0: {  	(tag) =	ssettag $0x1  }
0x1: {  	s5 =	rddreg [dreg:$0x0]  }
0x2: {  	s1 =	rddreg [dreg:$0x1]  }
0x3: {  	s8 =	rddreg [dreg:$0x2];
	s4 =	srdreg.scid;
	s3 =	simm.s32 $0x0  }
0x4: {  	s0 =	stileid.u32;
	s13 =	simm.s32 $0x5;
	s14 =	simm.s32 $0x80  }
0x5: {  	s15 =	simm.s32 $0x100;
	s16 =	simm.s32 $0x4100;
	s17 =	simm.s32 $0x1  }
0x6: {  	s18 =	simm.s32 $0x8100;
	s19 =	simm.s32 $0x2;
	s20 =	simm.s32 $0x4  }
0x7: {  	s21 =	simm.s32 $0xC100;
	s22 =	simm.s32 $0x3;
	s23 =	simm.s32 $0x0  }
0x8: {  	s4 =	sand.u32 $0x1, s4;
	[smem:$0x7FF] =	sst s3;
	s6 =	sshll.u32 s0, $0x9  }
0x9: {  	s7 =	sshll.u32 s4, $0x8;
	_ =	strace $0x80000047;
	s9 =	ssub.s32 $0x2, s4  }
.Ltmp0:
0xa: {  	s4 =	sadd.s32 $0x800, s5;
	s10 =	sor.u32 s7, s6;
	(pc) =	sbr.rel .LBB2_1-.Ltmp0, $4  }
0xb: {  	s5 =	sadd.s32 $0x600, s5;
	s31 =	sshrl.u32 s9, $0x1;
	s11 =	sshll.u32 s10, $0x8  }
0xc: {  	s12 =	ssub.s32 s9, s31;
	s10 =	sshrl.u32 s10, $0x3;
	s6 =	sadd.s32 s1, s11  }
0xd: {  	s8 =	sadd.s32 s8, s11;
	s9 =	sor.u32 $0x2, s10;
	s10 =	sor.u32 $0x3, s10  }
0xe: {  	s11 =	smax.u32 s12, $0x1;
	s7 =	sadd.s32 $0x800, s6;
	s12 =	sadd.s32 $0x800, s8  }
.LBB2_12:
0xf: {  	s23 =	sadd.s32 $0x1, s23  }
0x10: {  	_ =	swait.ge [sflag:s22], $0x4000;
	p0 =	sne.s32 s23, s11  }
.Ltmp1:
0x11: {  	[sflag:s22] =	ssyncset.done $0x0;
	(pc) =	sbr.rel @!p0 .LBB2_13-.Ltmp1, $4  }
0x12: {  	[sflag:s22] =	ssyncadd.s32 $0xFFFFC000  }
0x13: {  	_ =	swait.ge [sflag:s20], $0x4000  }
0x14: {  	[sflag:s20] =	ssyncset.done $0x0  }
0x15: {  	[sflag:s20] =	ssyncadd.s32 $0xFFFFC000  }
.LBB2_1:
0x16: {  	[tilespmem:s3], [sflag:$0x5] =	stream.linear.gather [hbm4b:s4+s3], $0x80, $0x38;
	[tilespmem:$0x10100] =	vst v63  }
0x17: {  	_ =	swait.ge [sflag:s13], $0x80  }
0x18: {  	[sflag:s13] =	ssyncset.done $0x0  }
0x19: {  	[sflag:s13] =	ssyncadd.s32 $0xFFFFFF80  }
0x1a: {  	[tilespmem:s14], [sflag:$0x5] =	stream.linear.gather [hbm4b:s5+s3], $0x80, $0x38;
	[tilespmem:$0x10100] =	vst v63  }
0x1b: {  	_ =	swait.ge [sflag:s13], $0x80  }
0x1c: {  	[sflag:s13] =	ssyncset.done $0x0  }
0x1d: {  	[sflag:s13] =	ssyncadd.s32 $0xFFFFFF80  }
0x1e: {  	v1 =	vld [tilespmem:$0x80];
	_ =	sdelay $0x1  }
0x1f: {  	v0 =	vld [tilespmem:$0x0];
	[tilespmem:s15], [sflag:$0x1] =	stream.linear.gather [hbm4b:s6+s3], $0x4000, $0x38  }
0x20: {  	s24 =	simm.s32 $0x0  }
0x21: {  	[tilespmem:s16], [sflag:$0x2] =	stream.linear.gather [hbm4b:s7+s3], $0x4000, $0x38;
	[tilespmem:$0x10100] =	vst v63  }
.LBB2_2:
0x22: {  	_ =	swait.ge [sflag:s17], $0x4000  }
0x23: {  	p0 =	seq.s32 s24, $0x0;
	[sflag:s17] =	ssyncset.done $0x0  }
0x24: {  	s25 =	simm.s32 @!p0 $0x3;
	[sflag:s17] =	ssyncadd.s32 $0xFFFFC000  }
0x25: {  	s26 =	simm.s32 $0x0;
	s28 =	simm.s32 $0x0;
	_ =	swait.ge @!p0 [sflag:s25], $0x4000  }
0x26: {  	s28 =	sand.u32 $0x380, s28;
	s26 =	sand.u32 $0x3C00, s26;
	[sflag:s25] =	ssyncset.done @!p0 $0x0  }
0x27: {  	s26 =	sor.u32 s28, s26;
	[sflag:s25] =	ssyncadd.s32 @!p0 $0xFFFFC000  }
0x28: {  	v2 =	vld [tilespmem:s26+$0x170]  }
0x29: {  	v3 =	vld [tilespmem:s26+$0x160]  }
0x2a: {  	v4 =	vld [tilespmem:s26+$0x150]  }
0x2b: {  	v5 =	vld [tilespmem:s26+$0x120]  }
0x2c: {  	v10 =	vld [tilespmem:s26+$0x130]  }
0x2d: {  	v6 =	vld [tilespmem:s26+$0x110]  }
0x2e: {  	v8 =	vld [tilespmem:s26+$0x140]  }
0x2f: {  	v9 =	vld [tilespmem:s26+$0x100];
	v2 =	vmax.f32 v2, $-1.000000000e+00  }
0x30: {  	v3 =	vmax.f32 v3, $-1.000000000e+00;
	v4 =	vmax.f32 v4, $-1.000000000e+00;
	v5 =	vmax.f32 v5, $-1.000000000e+00  }
0x31: {  	v10 =	vmax.f32 v10, $-1.000000000e+00;
	v7 =	vadd.f32 v2, v2;
	v11 =	vadd.f32 v4, v4  }
0x32: {  	v6 =	vmax.f32 v6, $-1.000000000e+00;
	v12 =	vadd.f32 v3, v3;
	v15 =	vadd.f32 v10, v10  }
0x33: {  	v13 =	vmax.f32 v8, $-1.000000000e+00;
	v16 =	vadd.f32 v5, v5;
	v7 =	vadd.f32 $2.000000000e+00, v7  }
0x34: {  	v8 =	vadd.f32 $2.000000000e+00, v11;
	v11 =	vadd.f32 $2.000000000e+00, v12;
	v12 =	vmax.f32 v9, $-1.000000000e+00  }
0x35: {  	v15 =	vadd.f32 $2.000000000e+00, v15;
	v16 =	vadd.f32 $2.000000000e+00, v16;
	v7 =	vtrunc.f32 v7  }
0x36: {  	v9 =	vadd.f32 v6, v6;
	v8 =	vtrunc.f32 v8;
	v11 =	vtrunc.f32 v11  }
0x37: {  	v15 =	vtrunc.f32 v15;
	v16 =	vtrunc.f32 v16  }
0x38: {  	v9 =	vadd.f32 $2.000000000e+00, v9;
	v7 =	vcvt.f32.s32 v7;
	v8 =	vcvt.f32.s32 v8  }
0x39: {  	v11 =	vcvt.f32.s32 v11;
	v16 =	vcvt.f32.s32 v16  }
0x3a: {  	v15 =	vcvt.f32.s32 v15;
	v9 =	vtrunc.f32 v9;
	v7 =	vand.u32 $0xF, v7  }
0x3b: {  	v8 =	vand.u32 $0xF, v8;
	v9 =	vcvt.f32.s32 v9;
	v14 =	vperm.xlane v1, v7  }
0x3c: {  	v15 =	vand.u32 $0xF, v15;
	v7 =	vperm.xlane v0, v7;
	v18 =	vperm.xlane v1, v8  }
0x3d: {  	s29 =	simm.s32 $0x8;
	s30 =	simm.s32 $0x400;
	v8 =	vperm.xlane v0, v8;
	v2 =	vmul.f32 v14, v2;
	v14 =	vadd.f32 v12, v12  }
0x3e: {  	s31 =	sand.u32 $0x380, s29;
	s28 =	sand.u32 $0x3C00, s30;
	v17 =	vadd.f32 v13, v13;
	v58 =	vperm.xlane v0, v15;
	v15 =	vperm.xlane v1, v15  }
0x3f: {  	s28 =	sor.u32 s31, s28;
	v9 =	vand.u32 $0xF, v9;
	v4 =	vmul.f32 v18, v4;
	v14 =	vadd.f32 $2.000000000e+00, v14  }
0x40: {  	v22 =	vperm.xlane v0, v9;
	v9 =	vperm.xlane v1, v9;
	v19 =	vadd.f32 v2, v7;
	v2 =	vld [tilespmem:s28+$0x170]  }
0x41: {  	v17 =	vadd.f32 $2.000000000e+00, v17;
	v10 =	vmul.f32 v15, v10;
	v14 =	vtrunc.f32 v14  }
0x42: {  	v11 =	vand.u32 $0xF, v11;
	v18 =	vld [tilespmem:s28+$0x160];
	v9 =	vmul.f32 v9, v6;
	v7 =	vcvt.f32.s32 v14  }
0x43: {  	v14 =	vand.u32 $0xF, v16;
	v16 =	vperm.xlane v0, v11;
	v11 =	vperm.xlane v1, v11  }
0x44: {  	v21 =	vadd.f32 v4, v8;
	v4 =	vld [tilespmem:s28+$0x150];
	v22 =	vadd.f32 v9, v22;
	v20 =	vperm.xlane v0, v14  }
0x45: {  	v23 =	vld [tilespmem:s28+$0x110];
	v8 =	vperm.xlane v1, v14;
	v3 =	vmul.f32 v11, v3;
	v11 =	vmax.f32 v2, $-1.000000000e+00  }
0x46: {  	v7 =	vand.u32 $0xF, v7;
	v2 =	vtrunc.f32 v17;
	v24 =	vadd.f32 v11, v11  }
0x47: {  	v6 =	vmax.f32 v18, $-1.000000000e+00;
	v14 =	vld [tilespmem:s28+$0x120];
	v5 =	vmul.f32 v8, v5;
	v17 =	vperm.xlane v1, v7  }
0x48: {  	v26 =	vcvt.f32.s32 v2;
	v16 =	vadd.f32 v3, v16;
	v3 =	vadd.f32 $2.000000000e+00, v24  }
0x49: {  	v18 =	vperm.xlane v0, v7;
	v8 =	vmax.f32 v4, $-1.000000000e+00;
	v20 =	vadd.f32 v5, v20  }
0x4a: {  	v57 =	vld [tilespmem:s28+$0x130];
	v5 =	vmax.f32 v23, $-1.000000000e+00;
	v59 =	vand.u32 $0xF, v26;
	v2 =	vtrunc.f32 v3  }
0x4b: {  	v4 =	vld [tilespmem:s28+$0x100];
	v23 =	vadd.f32 v10, v58;
	v17 =	vmul.f32 v17, v12;
	v27 =	vcvt.f32.s32 v2  }
0x4c: {  	v25 =	vld [tilespmem:s28+$0x140];
	v7 =	vmax.f32 v14, $-1.000000000e+00;
	v14 =	vadd.f32 v8, v8;
	v28 =	vperm.xlane v0, v59  }
0x4d: {  	v15 =	vadd.f32 v5, v5;
	v3 =	vadd.f32 v6, v6;
	v27 =	vand.u32 $0xF, v27  }
0x4e: {  	[tilespmem:s26+$0x8170] =	vst v19;
	v19 =	vperm.xlane v1, v59;
	v61 =	vadd.f32 v7, v7;
	v9 =	vperm.xlane v1, v27  }
0x4f: {  	v14 =	vadd.f32 $2.000000000e+00, v14;
	v60 =	vadd.f32 $2.000000000e+00, v3;
	v3 =	vmax.f32 v57, $-1.000000000e+00  }
0x50: {  	v4 =	vmax.f32 v4, $-1.000000000e+00;
	v9 =	vmul.f32 v9, v11;
	v11 =	vadd.f32 v3, v3  }
0x51: {  	v2 =	vmax.f32 v25, $-1.000000000e+00;
	v15 =	vadd.f32 $2.000000000e+00, v15;
	v63 =	vadd.f32 v4, v4  }
0x52: {  	[tilespmem:s26+$0x8160] =	vst v16;
	v13 =	vmul.f32 v19, v13;
	v16 =	vadd.f32 $2.000000000e+00, v61;
	v11 =	vadd.f32 $2.000000000e+00, v11  }
0x53: {  	[tilespmem:s26+$0x8120] =	vst v20;
	v14 =	vtrunc.f32 v14;
	v20 =	vtrunc.f32 v15;
	v15 =	vadd.f32 v17, v18  }
0x54: {  	[tilespmem:s26+$0x8150] =	vst v21;
	v13 =	vadd.f32 v13, v28;
	v14 =	vcvt.f32.s32 v14;
	v62 =	vtrunc.f32 v60  }
0x55: {  	[tilespmem:s26+$0x8110] =	vst v22;
	v10 =	vperm.xlane v0, v27;
	v19 =	vadd.f32 $2.000000000e+00, v63;
	v17 =	vcvt.f32.s32 v20  }
0x56: {  	s25 =	sshll.u32 s24, $0x1;
	[tilespmem:s26+$0x8130] =	vst v23;
	v18 =	vcvt.f32.s32 v62;
	v14 =	vand.u32 $0xF, v14;
	v12 =	vtrunc.f32 v11;
	v11 =	vmovc v2  }
.LBB2_3:
0x57: {  	s29 =	sadd.s32 $0x8, s29;
	v19 =	vtrunc.f32 v19;
	v11 =	vadd.f32 v11, v2;
	v20 =	vperm.xlane v1, v14;
	s30 =	sadd.s32 $0x400, s30;
	[tilespmem:s26+$0x8100] =	vst v15  }
0x58: {  	v16 =	vtrunc.f32 v16;
	s31 =	sand.u32 $0x380, s29;
	s0 =	sand.u32 $0x3C00, s30;
	p1 =	slt.u32 s29, $0x3F8;
	v15 =	vand.u32 $0xF, v17;
	v17 =	vand.u32 $0xF, v18;
	[tilespmem:s26+$0x8140] =	vst v13  }
0x59: {  	v14 =	vperm.xlane v0, v14;
	v9 =	vadd.f32 v9, v10;
	v13 =	vcvt.f32.s32 v16;
	s26 =	smov.u32 s28;
	s28 =	sor.u32 s31, s0  }
0x5a: {  	v16 =	vcvt.f32.s32 v19;
	v11 =	vadd.f32 $2.000000000e+00, v11;
	v8 =	vmul.f32 v20, v8;
	v10 =	vld [tilespmem:s28+$0x170]  }
0x5b: {  	v12 =	vcvt.f32.s32 v12;
	v19 =	vperm.xlane v0, v17;
	v13 =	vand.u32 $0xF, v13;
	v18 =	vld [tilespmem:s28+$0x160];
	[tilespmem:s26+$0x8170] =	vst v9  }
0x5c: {  	v20 =	vperm.xlane v0, v13;
	v8 =	vadd.f32 v8, v14;
	v14 =	vperm.xlane v1, v17;
	v9 =	vld [tilespmem:s28+$0x120]  }
0x5d: {  	v21 =	vperm.xlane v0, v15;
	v12 =	vand.u32 $0xF, v12;
	v13 =	vperm.xlane v1, v13;
	v17 =	vld [tilespmem:s28+$0x150]  }
0x5e: {  	v15 =	vperm.xlane v1, v15;
	v16 =	vand.u32 $0xF, v16;
	v6 =	vmul.f32 v14, v6;
	v22 =	vld [tilespmem:s28+$0x110];
	[tilespmem:s26+$0x8150] =	vst v8  }
0x5f: {  	v11 =	vtrunc.f32 v11;
	v7 =	vmul.f32 v13, v7;
	v14 =	vld [tilespmem:s28+$0x100]  }
0x60: {  	v23 =	vperm.xlane v1, v16;
	v15 =	vmul.f32 v15, v5;
	v5 =	vadd.f32 v6, v19;
	v13 =	vld [tilespmem:s28+$0x140]  }
0x61: {  	v10 =	vmax.f32 v10, $-1.000000000e+00;
	v6 =	vmax.f32 v18, $-1.000000000e+00;
	v18 =	vperm.xlane v0, v16;
	v19 =	vld [tilespmem:s28+$0x130]  }
0x62: {  	v16 =	vadd.f32 v10, v10;
	v8 =	vmax.f32 v17, $-1.000000000e+00;
	v17 =	vadd.f32 v7, v20;
	[tilespmem:s26+$0x8160] =	vst v5  }
0x63: {  	v7 =	vmax.f32 v9, $-1.000000000e+00;
	v20 =	vcvt.f32.s32 v11;
	v9 =	vadd.f32 v8, v8  }
0x64: {  	v16 =	vadd.f32 $2.000000000e+00, v16;
	v5 =	vmax.f32 v22, $-1.000000000e+00;
	[tilespmem:s26+$0x8120] =	vst v17;
	v17 =	vperm.xlane v0, v12  }
0x65: {  	v12 =	vperm.xlane v1, v12;
	v11 =	vmax.f32 v13, $-1.000000000e+00;
	v13 =	vadd.f32 v6, v6  }
0x66: {  	v16 =	vtrunc.f32 v16;
	v20 =	vand.u32 $0xF, v20;
	v9 =	vadd.f32 $2.000000000e+00, v9  }
0x67: {  	v16 =	vcvt.f32.s32 v16;
	v22 =	vperm.xlane v0, v20;
	v13 =	vadd.f32 $2.000000000e+00, v13  }
0x68: {  	v24 =	vmax.f32 v14, $-1.000000000e+00;
	v14 =	vadd.f32 v5, v5;
	v19 =	vmax.f32 v19, $-1.000000000e+00  }
0x69: {  	v15 =	vadd.f32 v15, v21;
	v9 =	vtrunc.f32 v9;
	v16 =	vand.u32 $0xF, v16  }
0x6a: {  	v12 =	vmul.f32 v12, v3;
	v21 =	vadd.f32 v19, v19;
	v3 =	vmovc v19;
	v25 =	vperm.xlane v1, v16  }
0x6b: {  	v19 =	vadd.f32 v7, v7;
	v26 =	vcvt.f32.s32 v9;
	[tilespmem:s26+$0x8110] =	vst v15;
	v15 =	vperm.xlane v1, v20  }
0x6c: {  	v14 =	vadd.f32 $2.000000000e+00, v14;
	v12 =	vadd.f32 v12, v17;
	v9 =	vmul.f32 v25, v10  }
.Ltmp2:
0x6d: {  	v17 =	vadd.f32 $2.000000000e+00, v21;
	v13 =	vtrunc.f32 v13;
	v10 =	vperm.xlane v0, v16;
	(pc) =	sbr.rel @p1 .LBB2_3-.Ltmp2, $4  }
0x6e: {  	v21 =	vmul.f32 v23, v4;
	v20 =	vadd.f32 v24, v24;
	v23 =	vmul.f32 v15, v2;
	[tilespmem:s26+$0x8130] =	vst v12  }
0x6f: {  	v4 =	vmovc v24;
	v25 =	vtrunc.f32 v14;
	v16 =	vadd.f32 $2.000000000e+00, v19;
	v14 =	vand.u32 $0xF, v26;
	v2 =	vmovc v11  }
0x70: {  	v19 =	vadd.f32 $2.000000000e+00, v20;
	v15 =	vadd.f32 v21, v18;
	v12 =	vtrunc.f32 v17  }
0x71: {  	v18 =	vcvt.f32.s32 v13;
	v17 =	vcvt.f32.s32 v25;
	v13 =	vadd.f32 v23, v22  }
0x72: {  	v19 =	vtrunc.f32 v19  }
0x73: {  	v20 =	vperm.xlane v1, v14;
	v16 =	vtrunc.f32 v16  }
0x74: {  	v54 =	vperm.xlane v0, v14;
	v11 =	vadd.f32 v11, v2;
	v12 =	vcvt.f32.s32 v12  }
0x75: {  	v18 =	vand.u32 $0xF, v18;
	v16 =	vcvt.f32.s32 v16;
	v19 =	vcvt.f32.s32 v19  }
0x76: {  	v17 =	vand.u32 $0xF, v17;
	v8 =	vmul.f32 v20, v8;
	v55 =	vperm.xlane v1, v18  }
0x77: {  	v18 =	vperm.xlane v0, v18;
	v57 =	vperm.xlane v0, v17;
	v12 =	vand.u32 $0xF, v12  }
0x78: {  	v11 =	vadd.f32 $2.000000000e+00, v11;
	v17 =	vperm.xlane v1, v17;
	v59 =	vperm.xlane v1, v12  }
0x79: {  	v16 =	vand.u32 $0xF, v16;
	v60 =	vperm.xlane v0, v12;
	v6 =	vmul.f32 v55, v6  }
0x7a: {  	v9 =	vadd.f32 v9, v10;
	v56 =	vperm.xlane v0, v16;
	v11 =	vtrunc.f32 v11  }
0x7b: {  	[tilespmem:s26+$0x8100] =	vst v15;
	v19 =	vand.u32 $0xF, v19;
	v16 =	vperm.xlane v1, v16;
	v11 =	vcvt.f32.s32 v11  }
0x7c: {  	[tilespmem:s26+$0x8140] =	vst v13;
	v58 =	vperm.xlane v1, v19;
	v8 =	vadd.f32 v8, v54;
	v5 =	vmul.f32 v17, v5  }
0x7d: {  	[tilespmem:s28+$0x8170] =	vst v9;
	v3 =	vmul.f32 v59, v3;
	v6 =	vadd.f32 v6, v18;
	v11 =	vand.u32 $0xF, v11  }
0x7e: {  	v7 =	vmul.f32 v16, v7;
	[tilespmem:s28+$0x8150] =	vst v8;
	v5 =	vadd.f32 v5, v57;
	v61 =	vperm.xlane v1, v11  }
0x7f: {  	v62 =	vperm.xlane v0, v19;
	v4 =	vmul.f32 v58, v4;
	v3 =	vadd.f32 v3, v60;
	[tilespmem:s28+$0x8160] =	vst v6  }
0x80: {  	p1 =	sne.s32 s24, $0xF;
	v7 =	vadd.f32 v7, v56;
	v63 =	vperm.xlane v0, v11;
	[tilespmem:s28+$0x8110] =	vst v5;
	v2 =	vmul.f32 v61, v2  }
.Ltmp3:
0x81: {  	v4 =	vadd.f32 v4, v62;
	[tilespmem:s28+$0x8130] =	vst v3;
	(pc) =	sbr.rel @p1 .LBB2_6-.Ltmp3, $4  }
0x82: {  	[tilespmem:s28+$0x8120] =	vst v7;
	v2 =	vadd.f32 v2, v63  }
0x83: {  	s26 =	sshll.u32 s24, $0xC;
	[tilespmem:s28+$0x8100] =	vst v4  }
0x84: {  	s0 =	sadd.s32 s26, s8;
	[tilespmem:s28+$0x8140] =	vst v2  }
0x85: {  	[hbm4b:s0+s3] =	stream.linear.scatter [tilespmem:s18], [sflag:$0x3], $0x4000, $0x38;
	[tilespmem:$0x10100] =	vst v63  }
.Ltmp4:
0x86: {  	(pc) =	sbr.rel .LBB2_7-.Ltmp4, $4  }
0x87: {  	_ = 	snop  }
0x88: {  	_ =	swait.ge [sflag:s19], $0x4000  }
0x89: {  	[sflag:s19] =	ssyncset.done $0x0  }
0x8a: {  	[sflag:s19] =	ssyncadd.s32 $0xFFFFC000  }
.LBB2_6:
0x8b: {  	s0 =	sadd.s32 s25, s9  }
0x8c: {  	s0 =	sshll.u32 s0, $0xB  }
0x8d: {  	s0 =	sand.u32 $0x1FFFF000, s0  }
.Ltmp5:
0x8e: {  	s0 =	sadd.s32 s1, s0;
	(pc) =	sbr.rel @p0 .LBB2_8-.Ltmp5, $4  }
0x8f: {  	[tilespmem:s15], [sflag:$0x1] =	stream.linear.gather [hbm4b:s0+s3], $0x4000, $0x38;
	[tilespmem:$0x10100] =	vst v63  }
0x90: {  	_ =	swait.ge [sflag:s19], $0x4000  }
0x91: {  	[sflag:s19] =	ssyncset.done $0x0  }
0x92: {  	[sflag:s19] =	ssyncadd.s32 $0xFFFFC000  }
.LBB2_7:
0x93: {  	_ =	swait.ge [sflag:s20], $0x4000  }
0x94: {  	[sflag:s20] =	ssyncset.done $0x0  }
0x95: {  	[sflag:s20] =	ssyncadd.s32 $0xFFFFC000  }
.LBB2_8:
0x96: {  	s0 =	simm.s32 $0x0;
	s28 =	simm.s32 $0x0  }
0x97: {  	s28 =	sand.u32 $0x380, s28;
	s0 =	sand.u32 $0x3C00, s0  }
0x98: {  	s28 =	sor.u32 s28, s0  }
0x99: {  	v2 =	vld [tilespmem:s28+$0x4170]  }
0x9a: {  	v3 =	vld [tilespmem:s28+$0x4160]  }
0x9b: {  	v4 =	vld [tilespmem:s28+$0x4150]  }
0x9c: {  	v5 =	vld [tilespmem:s28+$0x4120]  }
0x9d: {  	v10 =	vld [tilespmem:s28+$0x4130]  }
0x9e: {  	v6 =	vld [tilespmem:s28+$0x4110]  }
0x9f: {  	v8 =	vld [tilespmem:s28+$0x4140]  }
0xa0: {  	v9 =	vld [tilespmem:s28+$0x4100];
	v2 =	vmax.f32 v2, $-1.000000000e+00  }
0xa1: {  	v3 =	vmax.f32 v3, $-1.000000000e+00;
	v4 =	vmax.f32 v4, $-1.000000000e+00;
	v5 =	vmax.f32 v5, $-1.000000000e+00  }
0xa2: {  	v10 =	vmax.f32 v10, $-1.000000000e+00;
	v7 =	vadd.f32 v2, v2;
	v11 =	vadd.f32 v4, v4  }
0xa3: {  	v6 =	vmax.f32 v6, $-1.000000000e+00;
	v12 =	vadd.f32 v3, v3;
	v15 =	vadd.f32 v10, v10  }
0xa4: {  	v13 =	vmax.f32 v8, $-1.000000000e+00;
	v16 =	vadd.f32 v5, v5;
	v7 =	vadd.f32 $2.000000000e+00, v7  }
0xa5: {  	v8 =	vadd.f32 $2.000000000e+00, v11;
	v11 =	vadd.f32 $2.000000000e+00, v12;
	v12 =	vmax.f32 v9, $-1.000000000e+00  }
0xa6: {  	v15 =	vadd.f32 $2.000000000e+00, v15;
	v16 =	vadd.f32 $2.000000000e+00, v16;
	v7 =	vtrunc.f32 v7  }
0xa7: {  	v9 =	vadd.f32 v6, v6;
	v8 =	vtrunc.f32 v8;
	v11 =	vtrunc.f32 v11  }
0xa8: {  	v15 =	vtrunc.f32 v15;
	v16 =	vtrunc.f32 v16  }
0xa9: {  	v9 =	vadd.f32 $2.000000000e+00, v9;
	v7 =	vcvt.f32.s32 v7;
	v8 =	vcvt.f32.s32 v8  }
0xaa: {  	v11 =	vcvt.f32.s32 v11;
	v16 =	vcvt.f32.s32 v16  }
0xab: {  	v15 =	vcvt.f32.s32 v15;
	v9 =	vtrunc.f32 v9;
	v7 =	vand.u32 $0xF, v7  }
0xac: {  	v8 =	vand.u32 $0xF, v8;
	v9 =	vcvt.f32.s32 v9;
	v14 =	vperm.xlane v1, v7  }
0xad: {  	v15 =	vand.u32 $0xF, v15;
	v7 =	vperm.xlane v0, v7;
	v18 =	vperm.xlane v1, v8  }
0xae: {  	s30 =	simm.s32 $0x8;
	s31 =	simm.s32 $0x400;
	v8 =	vperm.xlane v0, v8;
	v2 =	vmul.f32 v14, v2;
	v14 =	vadd.f32 v12, v12  }
0xaf: {  	s2 =	sand.u32 $0x380, s30;
	s29 =	sand.u32 $0x3C00, s31;
	v17 =	vadd.f32 v13, v13;
	v58 =	vperm.xlane v0, v15;
	v15 =	vperm.xlane v1, v15  }
0xb0: {  	s29 =	sor.u32 s2, s29;
	v9 =	vand.u32 $0xF, v9;
	v4 =	vmul.f32 v18, v4;
	v14 =	vadd.f32 $2.000000000e+00, v14  }
0xb1: {  	v22 =	vperm.xlane v0, v9;
	v9 =	vperm.xlane v1, v9;
	v19 =	vadd.f32 v2, v7;
	v2 =	vld [tilespmem:s29+$0x4170]  }
0xb2: {  	v17 =	vadd.f32 $2.000000000e+00, v17;
	v10 =	vmul.f32 v15, v10;
	v14 =	vtrunc.f32 v14  }
0xb3: {  	v11 =	vand.u32 $0xF, v11;
	v18 =	vld [tilespmem:s29+$0x4160];
	v9 =	vmul.f32 v9, v6;
	v7 =	vcvt.f32.s32 v14  }
0xb4: {  	v14 =	vand.u32 $0xF, v16;
	v16 =	vperm.xlane v0, v11;
	v11 =	vperm.xlane v1, v11  }
0xb5: {  	v21 =	vadd.f32 v4, v8;
	v4 =	vld [tilespmem:s29+$0x4150];
	v22 =	vadd.f32 v9, v22;
	v20 =	vperm.xlane v0, v14  }
0xb6: {  	v23 =	vld [tilespmem:s29+$0x4110];
	v8 =	vperm.xlane v1, v14;
	v3 =	vmul.f32 v11, v3;
	v11 =	vmax.f32 v2, $-1.000000000e+00  }
0xb7: {  	v7 =	vand.u32 $0xF, v7;
	v2 =	vtrunc.f32 v17;
	v24 =	vadd.f32 v11, v11  }
0xb8: {  	v6 =	vmax.f32 v18, $-1.000000000e+00;
	v14 =	vld [tilespmem:s29+$0x4120];
	v5 =	vmul.f32 v8, v5;
	v17 =	vperm.xlane v1, v7  }
0xb9: {  	v26 =	vcvt.f32.s32 v2;
	v16 =	vadd.f32 v3, v16;
	v3 =	vadd.f32 $2.000000000e+00, v24  }
0xba: {  	v18 =	vperm.xlane v0, v7;
	v8 =	vmax.f32 v4, $-1.000000000e+00;
	v20 =	vadd.f32 v5, v20  }
0xbb: {  	v57 =	vld [tilespmem:s29+$0x4130];
	v5 =	vmax.f32 v23, $-1.000000000e+00;
	v59 =	vand.u32 $0xF, v26;
	v2 =	vtrunc.f32 v3  }
0xbc: {  	v4 =	vld [tilespmem:s29+$0x4100];
	v23 =	vadd.f32 v10, v58;
	v17 =	vmul.f32 v17, v12;
	v27 =	vcvt.f32.s32 v2  }
0xbd: {  	v25 =	vld [tilespmem:s29+$0x4140];
	v7 =	vmax.f32 v14, $-1.000000000e+00;
	v14 =	vadd.f32 v8, v8;
	v28 =	vperm.xlane v0, v59  }
0xbe: {  	v15 =	vadd.f32 v5, v5;
	v3 =	vadd.f32 v6, v6;
	v27 =	vand.u32 $0xF, v27  }
0xbf: {  	[tilespmem:s28+$0xC170] =	vst v19;
	v19 =	vperm.xlane v1, v59;
	v61 =	vadd.f32 v7, v7;
	v9 =	vperm.xlane v1, v27  }
0xc0: {  	v14 =	vadd.f32 $2.000000000e+00, v14;
	v60 =	vadd.f32 $2.000000000e+00, v3;
	v3 =	vmax.f32 v57, $-1.000000000e+00  }
0xc1: {  	v4 =	vmax.f32 v4, $-1.000000000e+00;
	v9 =	vmul.f32 v9, v11;
	v11 =	vadd.f32 v3, v3  }
0xc2: {  	v2 =	vmax.f32 v25, $-1.000000000e+00;
	v15 =	vadd.f32 $2.000000000e+00, v15;
	v63 =	vadd.f32 v4, v4  }
0xc3: {  	[tilespmem:s28+$0xC160] =	vst v16;
	v13 =	vmul.f32 v19, v13;
	v16 =	vadd.f32 $2.000000000e+00, v61;
	v11 =	vadd.f32 $2.000000000e+00, v11  }
0xc4: {  	[tilespmem:s28+$0xC120] =	vst v20;
	v14 =	vtrunc.f32 v14;
	v20 =	vtrunc.f32 v15;
	v15 =	vadd.f32 v17, v18  }
0xc5: {  	[tilespmem:s28+$0xC150] =	vst v21;
	v13 =	vadd.f32 v13, v28;
	v14 =	vcvt.f32.s32 v14;
	v62 =	vtrunc.f32 v60  }
0xc6: {  	[tilespmem:s28+$0xC110] =	vst v22;
	v10 =	vperm.xlane v0, v27;
	v19 =	vadd.f32 $2.000000000e+00, v63;
	v17 =	vcvt.f32.s32 v20  }
0xc7: {  	[tilespmem:s28+$0xC130] =	vst v23;
	v18 =	vcvt.f32.s32 v62;
	v14 =	vand.u32 $0xF, v14;
	v12 =	vtrunc.f32 v11;
	v11 =	vmovc v2  }
.LBB2_9:
0xc8: {  	s30 =	sadd.s32 $0x8, s30;
	v19 =	vtrunc.f32 v19;
	v11 =	vadd.f32 v11, v2;
	v20 =	vperm.xlane v1, v14;
	s31 =	sadd.s32 $0x400, s31;
	[tilespmem:s28+$0xC100] =	vst v15  }
0xc9: {  	v16 =	vtrunc.f32 v16;
	s0 =	sand.u32 $0x380, s30;
	s2 =	sand.u32 $0x3C00, s31;
	p0 =	slt.u32 s30, $0x3F8;
	v15 =	vand.u32 $0xF, v17;
	v17 =	vand.u32 $0xF, v18;
	[tilespmem:s28+$0xC140] =	vst v13  }
0xca: {  	v14 =	vperm.xlane v0, v14;
	v9 =	vadd.f32 v9, v10;
	v13 =	vcvt.f32.s32 v16;
	s28 =	smov.u32 s29;
	s29 =	sor.u32 s0, s2  }
0xcb: {  	v16 =	vcvt.f32.s32 v19;
	v11 =	vadd.f32 $2.000000000e+00, v11;
	v8 =	vmul.f32 v20, v8;
	v10 =	vld [tilespmem:s29+$0x4170]  }
0xcc: {  	v12 =	vcvt.f32.s32 v12;
	v19 =	vperm.xlane v0, v17;
	v13 =	vand.u32 $0xF, v13;
	v18 =	vld [tilespmem:s29+$0x4160];
	[tilespmem:s28+$0xC170] =	vst v9  }
0xcd: {  	v20 =	vperm.xlane v0, v13;
	v8 =	vadd.f32 v8, v14;
	v14 =	vperm.xlane v1, v17;
	v9 =	vld [tilespmem:s29+$0x4120]  }
0xce: {  	v21 =	vperm.xlane v0, v15;
	v12 =	vand.u32 $0xF, v12;
	v13 =	vperm.xlane v1, v13;
	v17 =	vld [tilespmem:s29+$0x4150]  }
0xcf: {  	v15 =	vperm.xlane v1, v15;
	v16 =	vand.u32 $0xF, v16;
	v6 =	vmul.f32 v14, v6;
	v22 =	vld [tilespmem:s29+$0x4110];
	[tilespmem:s28+$0xC150] =	vst v8  }
0xd0: {  	v11 =	vtrunc.f32 v11;
	v7 =	vmul.f32 v13, v7;
	v14 =	vld [tilespmem:s29+$0x4100]  }
0xd1: {  	v23 =	vperm.xlane v1, v16;
	v15 =	vmul.f32 v15, v5;
	v5 =	vadd.f32 v6, v19;
	v13 =	vld [tilespmem:s29+$0x4140]  }
0xd2: {  	v10 =	vmax.f32 v10, $-1.000000000e+00;
	v6 =	vmax.f32 v18, $-1.000000000e+00;
	v18 =	vperm.xlane v0, v16;
	v19 =	vld [tilespmem:s29+$0x4130]  }
0xd3: {  	v16 =	vadd.f32 v10, v10;
	v8 =	vmax.f32 v17, $-1.000000000e+00;
	v17 =	vadd.f32 v7, v20;
	[tilespmem:s28+$0xC160] =	vst v5  }
0xd4: {  	v7 =	vmax.f32 v9, $-1.000000000e+00;
	v20 =	vcvt.f32.s32 v11;
	v9 =	vadd.f32 v8, v8  }
0xd5: {  	v16 =	vadd.f32 $2.000000000e+00, v16;
	v5 =	vmax.f32 v22, $-1.000000000e+00;
	[tilespmem:s28+$0xC120] =	vst v17;
	v17 =	vperm.xlane v0, v12  }
0xd6: {  	v12 =	vperm.xlane v1, v12;
	v11 =	vmax.f32 v13, $-1.000000000e+00;
	v13 =	vadd.f32 v6, v6  }
0xd7: {  	v16 =	vtrunc.f32 v16;
	v20 =	vand.u32 $0xF, v20;
	v9 =	vadd.f32 $2.000000000e+00, v9  }
0xd8: {  	v16 =	vcvt.f32.s32 v16;
	v22 =	vperm.xlane v0, v20;
	v13 =	vadd.f32 $2.000000000e+00, v13  }
0xd9: {  	v24 =	vmax.f32 v14, $-1.000000000e+00;
	v14 =	vadd.f32 v5, v5;
	v19 =	vmax.f32 v19, $-1.000000000e+00  }
0xda: {  	v15 =	vadd.f32 v15, v21;
	v9 =	vtrunc.f32 v9;
	v16 =	vand.u32 $0xF, v16  }
0xdb: {  	v12 =	vmul.f32 v12, v3;
	v21 =	vadd.f32 v19, v19;
	v3 =	vmovc v19;
	v25 =	vperm.xlane v1, v16  }
0xdc: {  	v19 =	vadd.f32 v7, v7;
	v26 =	vcvt.f32.s32 v9;
	[tilespmem:s28+$0xC110] =	vst v15;
	v15 =	vperm.xlane v1, v20  }
0xdd: {  	v14 =	vadd.f32 $2.000000000e+00, v14;
	v12 =	vadd.f32 v12, v17;
	v9 =	vmul.f32 v25, v10  }
.Ltmp6:
0xde: {  	v17 =	vadd.f32 $2.000000000e+00, v21;
	v13 =	vtrunc.f32 v13;
	v10 =	vperm.xlane v0, v16;
	(pc) =	sbr.rel @p0 .LBB2_9-.Ltmp6, $4  }
0xdf: {  	v21 =	vmul.f32 v23, v4;
	v20 =	vadd.f32 v24, v24;
	v23 =	vmul.f32 v15, v2;
	[tilespmem:s28+$0xC130] =	vst v12  }
0xe0: {  	v4 =	vmovc v24;
	v25 =	vtrunc.f32 v14;
	v16 =	vadd.f32 $2.000000000e+00, v19;
	v14 =	vand.u32 $0xF, v26;
	v2 =	vmovc v11  }
0xe1: {  	v19 =	vadd.f32 $2.000000000e+00, v20;
	v15 =	vadd.f32 v21, v18;
	v12 =	vtrunc.f32 v17  }
0xe2: {  	v18 =	vcvt.f32.s32 v13;
	v17 =	vcvt.f32.s32 v25;
	v13 =	vadd.f32 v23, v22  }
0xe3: {  	v19 =	vtrunc.f32 v19  }
0xe4: {  	v20 =	vperm.xlane v1, v14;
	v16 =	vtrunc.f32 v16  }
0xe5: {  	v54 =	vperm.xlane v0, v14;
	v11 =	vadd.f32 v11, v2;
	v12 =	vcvt.f32.s32 v12  }
0xe6: {  	v18 =	vand.u32 $0xF, v18;
	v16 =	vcvt.f32.s32 v16;
	v19 =	vcvt.f32.s32 v19  }
0xe7: {  	v17 =	vand.u32 $0xF, v17;
	v8 =	vmul.f32 v20, v8;
	v55 =	vperm.xlane v1, v18  }
0xe8: {  	v18 =	vperm.xlane v0, v18;
	v57 =	vperm.xlane v0, v17;
	v12 =	vand.u32 $0xF, v12  }
0xe9: {  	v11 =	vadd.f32 $2.000000000e+00, v11;
	v17 =	vperm.xlane v1, v17;
	v59 =	vperm.xlane v1, v12  }
0xea: {  	v16 =	vand.u32 $0xF, v16;
	v60 =	vperm.xlane v0, v12;
	v6 =	vmul.f32 v55, v6  }
0xeb: {  	v9 =	vadd.f32 v9, v10;
	v56 =	vperm.xlane v0, v16;
	v11 =	vtrunc.f32 v11  }
0xec: {  	[tilespmem:s28+$0xC100] =	vst v15;
	v19 =	vand.u32 $0xF, v19;
	v16 =	vperm.xlane v1, v16;
	v11 =	vcvt.f32.s32 v11  }
0xed: {  	[tilespmem:s28+$0xC140] =	vst v13;
	v58 =	vperm.xlane v1, v19;
	v8 =	vadd.f32 v8, v54;
	v5 =	vmul.f32 v17, v5  }
0xee: {  	[tilespmem:s29+$0xC170] =	vst v9;
	v3 =	vmul.f32 v59, v3;
	v6 =	vadd.f32 v6, v18;
	v11 =	vand.u32 $0xF, v11  }
0xef: {  	v7 =	vmul.f32 v16, v7;
	[tilespmem:s29+$0xC150] =	vst v8;
	v5 =	vadd.f32 v5, v57;
	v61 =	vperm.xlane v1, v11  }
0xf0: {  	v62 =	vperm.xlane v0, v19;
	v4 =	vmul.f32 v58, v4;
	v3 =	vadd.f32 v3, v60;
	[tilespmem:s29+$0xC160] =	vst v6  }
0xf1: {  	p0 =	seq.s32 s24, $0xF;
	v7 =	vadd.f32 v7, v56;
	v63 =	vperm.xlane v0, v11;
	[tilespmem:s29+$0xC110] =	vst v5;
	v2 =	vmul.f32 v61, v2  }
.Ltmp7:
0xf2: {  	v4 =	vadd.f32 v4, v62;
	[tilespmem:s29+$0xC130] =	vst v3;
	(pc) =	sbr.rel @p0 .LBB2_12-.Ltmp7, $4  }
0xf3: {  	[tilespmem:s29+$0xC120] =	vst v7;
	v2 =	vadd.f32 v2, v63  }
0xf4: {  	[tilespmem:s29+$0xC100] =	vst v4  }
0xf5: {  	s0 =	sadd.s32 s12, s26;
	[tilespmem:s29+$0xC140] =	vst v2  }
0xf6: {  	[hbm4b:s0+s3] =	stream.linear.scatter [tilespmem:s21], [sflag:$0x4], $0x4000, $0x38;
	[tilespmem:$0x10100] =	vst v63  }
.Ltmp8:
0xf7: {  	(pc) =	sbr.rel .LBB2_2-.Ltmp8, $4  }
0xf8: {  	s0 =	sadd.s32 s25, s10  }
0xf9: {  	s0 =	sshll.u32 s0, $0xB  }
0xfa: {  	s24 =	sadd.s32 $0x1, s24;
	s0 =	sadd.s32 s1, s0  }
0xfb: {  	[tilespmem:s16], [sflag:$0x2] =	stream.linear.gather [hbm4b:s0+s3], $0x4000, $0x38;
	[tilespmem:$0x10100] =	vst v63  }
.LBB2_13:
0xfc: {  	_ =	sfence.sel $0x180000  }
0xfd: {  	[bflag:$0x0] =	sbarrier.arrive $0xFFFF  }
0xfe: {  	_ =	strace $0x90000047  }
0xff: {  	s0 =	stileid.u32;
	[bflag:$0x2] =	sbarrier.arrive $0xFFFF  }
0x100: {  	p0 =	sne.s32 s0, $0x0;
	s0 =	rddreg [dreg:$0x3]  }
0x101: {  	s0 =	sadd.s32 @!p0 $0x100000, s0  }
0x102: {  	[sflag:s0] =	ssyncadd.tile.s32 @!p0 $0x1;
	_ =	shalt  }
.Lfunc_end2:
_tile_overlayer_lowered:
.L_overlay_start_2:
0x103: {  	(tag) =	ssettag $0x2  }
0x104: {  	s0 =	rddreg [dreg:$0x0];
	s2 =	stileid.u32  }
0x105: {  	s1 =	rddreg [dreg:$0x1];
	p0 =	sne.s32 s2, $0x0  }
0x106: {  	s3 =	rddreg [dreg:$0x2];
	[bflag:$0x3] =	sbarrier.arrive $0xFFFF;
	s2 =	simm.s32 @!p0 $0x1C05  }
0x107: {  	[timem:s3], [sflag:s2] =	dma.local @!p0 [hbm:s0], s1  }
0x108: {  	s0 =	simm.s32 @!p0 $0x5  }
0x109: {  	_ =	swait.ge @!p0 [sflag:s0], s1  }
0x10a: {  	s1 =	ssub.s32 @!p0 $0x0, s1;
	[sflag:s0] =	ssyncset.done @!p0 $0x0  }
0x10b: {  	[sflag:s0] =	ssyncadd.s32 @!p0 s1  }
0x10c: {  	[bflag:$0x3] =	sbarrier.arrive $0xFFFF  }
0x10d: {  	_ =	shalt  }

</sc_bundles>
